<compile_context>
chip_gen: v7x
topology: tpu7x:2x2x1
jax: 0.10.2.dev20260603
libtpu: 0.0.44.dev20260713+nightly
codegen_flags: <defaults>
</compile_context>

<pallas_src>
import functools

import jax
import jax.numpy as jnp
from jax import lax
from jax.experimental import pallas as pl
from jax.experimental.pallas import tpu as pltpu
from jax.experimental.pallas import tpu_sc as plsc

_NUM_CORES = 2
_NUM_SUBCORES = 16
_NUM_WORKERS = _NUM_CORES * _NUM_SUBCORES

_SC_FRACTION = 0.5
_SC_CHUNK = 32
_TC_BLOCK = 1024


def _pipeline(read_fn, write_fns, n_chunks):
    read_fn(0).start()
    if n_chunks > 1:
        read_fn(1).start()
    for t in range(n_chunks):
        read_fn(t).wait()
        for w in write_fns(t):
            w.start()
        if t + 2 < n_chunks:
            for w in write_fns(t):
                w.wait()
            read_fn(t + 2).start()
    for t in (n_chunks - 2, n_chunks - 1):
        if t >= 0 and t + 2 >= n_chunks:
            for w in write_fns(t):
                w.wait()


@functools.cache
def _build_sc(batch, seq_len, d_model, dtype, sc_rows):
    rows_per_w = sc_rows // _NUM_WORKERS
    n_chunks = rows_per_w // _SC_CHUNK

    mesh = plsc.VectorSubcoreMesh(
        core_axis_name="c", subcore_axis_name="s", num_cores=_NUM_CORES
    )

    @functools.partial(
        pl.kernel,
        out_type=jax.ShapeDtypeStruct((batch, seq_len, d_model), dtype),
        mesh=mesh,
        scratch_types=[
            pltpu.VMEM((_SC_CHUNK, d_model), dtype),
            pltpu.VMEM((_SC_CHUNK, d_model), dtype),
            pltpu.SemaphoreType.DMA,
            pltpu.SemaphoreType.DMA,
            pltpu.SemaphoreType.DMA,
            pltpu.SemaphoreType.DMA,
        ],
    )
    def broadcast_rows(table_hbm, out_hbm, buf0, buf1, rsem0, rsem1, wsem0, wsem1):
        bufs = (buf0, buf1)
        rsems = (rsem0, rsem1)
        wsems = (wsem0, wsem1)
        wid = lax.axis_index("s") * _NUM_CORES + lax.axis_index("c")
        base = wid * rows_per_w

        def read(t):
            return pltpu.make_async_copy(
                table_hbm.at[pl.ds(base + t * _SC_CHUNK, _SC_CHUNK)],
                bufs[t % 2],
                rsems[t % 2],
            )

        def writes(t):
            return [
                pltpu.make_async_copy(
                    bufs[t % 2],
                    out_hbm.at[b].at[pl.ds(base + t * _SC_CHUNK, _SC_CHUNK)],
                    wsems[t % 2],
                )
                for b in range(batch)
            ]

        _pipeline(read, writes, n_chunks)

    return broadcast_rows


@functools.cache
def _build_tc(batch, seq_len, d_model, dtype, sc_rows):
    tc_rows = seq_len - sc_rows
    n_chunks = tc_rows // _TC_BLOCK

    def tc_body(table_ref, partial_ref, out_ref, buf0, buf1, rsem0, rsem1,
                wsem0, wsem1):
        del partial_ref
        bufs = (buf0, buf1)
        rsems = (rsem0, rsem1)
        wsems = (wsem0, wsem1)

        def read(t):
            return pltpu.make_async_copy(
                table_ref.at[pl.ds(sc_rows + t * _TC_BLOCK, _TC_BLOCK)],
                bufs[t % 2],
                rsems[t % 2],
            )

        def writes(t):
            return [
                pltpu.make_async_copy(
                    bufs[t % 2],
                    out_ref.at[b].at[pl.ds(sc_rows + t * _TC_BLOCK, _TC_BLOCK)],
                    wsems[t % 2],
                )
                for b in range(batch)
            ]

        _pipeline(read, writes, n_chunks)

    return pl.pallas_call(
        tc_body,
        in_specs=[
            pl.BlockSpec(memory_space=pl.ANY),
            pl.BlockSpec(memory_space=pl.ANY),
        ],
        out_specs=pl.BlockSpec(memory_space=pl.ANY),
        out_shape=jax.ShapeDtypeStruct((batch, seq_len, d_model), dtype),
        scratch_shapes=[
            pltpu.VMEM((_TC_BLOCK, d_model), dtype),
            pltpu.VMEM((_TC_BLOCK, d_model), dtype),
            pltpu.SemaphoreType.DMA,
            pltpu.SemaphoreType.DMA,
            pltpu.SemaphoreType.DMA,
            pltpu.SemaphoreType.DMA,
        ],
        input_output_aliases={1: 0},
    )


def kernel(inputs, pos_embedding):
    batch, seq_len = inputs.shape
    _, d_model = pos_embedding.shape
    sc_rows = int(seq_len * _SC_FRACTION)
    sc_rows -= sc_rows % max(_NUM_WORKERS * _SC_CHUNK, _TC_BLOCK)
    dtype = pos_embedding.dtype
    partial_out = _build_sc(batch, seq_len, d_model, dtype, sc_rows)(pos_embedding)
    return _build_tc(batch, seq_len, d_model, dtype, sc_rows)(
        pos_embedding, partial_out
    )

# --- scband reference (transcript-rebuilt; emitter-appended) ---
"""Pipeline reference for scband-positional-encoding-54082228191614 (READ-ONLY COPY).

The authoritative reference and input builder live on the scoring server;
editing this copy changes nothing except your own understanding.
"""

import jax, jax.numpy as jnp
import numpy as np

D_MODEL = 1024
MAX_POS = 8192
BATCH = 4
SEQ_LEN = 4096

def setup_inputs(seed: int = 0) -> dict:
    key = jax.random.key(seed)
    k1, k2 = jax.random.split(key)
    inputs = jax.random.randint(k1, (BATCH, SEQ_LEN), 0, MAX_POS, dtype=jnp.int64 if jax.config.jax_enable_x64 else jnp.int32)
    pos_embedding = jax.random.normal(k2, (MAX_POS, D_MODEL), dtype=jnp.float32) * 0.02
    return {"inputs": inputs, "pos_embedding": pos_embedding}

def reference(inputs, pos_embedding):
    # seq_len = inputs.size(1)
    seq_len = inputs.shape[1]
    # pos = torch.arange(seq_len); pos = pos.unsqueeze(0).expand_as(inputs)
    pos = jnp.arange(seq_len, dtype=inputs.dtype)
    pos = jnp.broadcast_to(pos[None, :], inputs.shape)
    # return self.pos_embedding(pos) -> embedding gather
    return jnp.take(pos_embedding, pos, axis=0)

if __name__ == "__main__":
    import jax
    _d = setup_inputs()
    print(jax.jit(kernel)(*tuple(_d.values())))

</pallas_src>

<mosaic_0001>
#map = affine_map<(d0, d1) -> (0, 0)>
#map1 = affine_map<(d0, d1) -> (0, 0, 0)>
module attributes {stable_mosaic.version = 14 : i64} {
  func.func @broadcast_rows(%arg0: i32, %arg1: i32, %arg2: memref<8192x1024xf32, #tpu.memory_space<hbm>>, %arg3: memref<4x4096x1024xf32, #tpu.memory_space<hbm>>, %arg4: memref<32x1024xf32, #tpu.memory_space<vmem>>, %arg5: memref<32x1024xf32, #tpu.memory_space<vmem>>, %arg6: memref<!tpu.dma_semaphore, #tpu.memory_space<semaphore_mem>>, %arg7: memref<!tpu.dma_semaphore, #tpu.memory_space<semaphore_mem>>, %arg8: memref<!tpu.dma_semaphore, #tpu.memory_space<semaphore_mem>>, %arg9: memref<!tpu.dma_semaphore, #tpu.memory_space<semaphore_mem>>) attributes {dimension_semantics = [#tpu.dimension_semantics<core_parallel>, #tpu.dimension_semantics<subcore_parallel>], iteration_bounds = array<i64: 2, 16>, scalar_prefetch = 0 : i64, scratch_operands = 6 : i64, tpu.core_type = #tpu.core_type<sc_vector_subcore>, window_params = [{transform_indices = #map}, {transform_indices = #map1}]} {
    %mul3A = arith.constant 2 : i32
    %mul3A_0 = arith.muli %arg1, %mul3A : i32
    %add3A = arith.addi %mul3A_0, %arg0 : i32
    %mul3A_1 = arith.constant 64 : i32
    %mul3A_2 = arith.muli %add3A, %mul3A_1 : i32
    %add3A_3 = arith.constant 0 : i32
    %add3A_4 = arith.addi %mul3A_2, %add3A_3 : i32
    %dma_start3A = arith.constant 0 : i32
    %dma_start3A_5 = tpu.memref_slice %arg2[%add3A_4, %dma_start3A] : memref<8192x1024xf32, #tpu.memory_space<hbm>> -> memref<32x1024xf32, #tpu.memory_space<hbm>>
    %dma_start3A_6 = arith.constant 0 : i32
    %dma_start3A_7 = tpu.memref_slice %arg2[%add3A_4, %dma_start3A_6] : memref<8192x1024xf32, #tpu.memory_space<hbm>> -> memref<32x1024xf32, #tpu.memory_space<hbm>>
    tpu.enqueue_dma source(%dma_start3A_7 : memref<32x1024xf32, #tpu.memory_space<hbm>>) target(%arg4 : memref<32x1024xf32, #tpu.memory_space<vmem>>) target_semaphore(%arg6 : memref<!tpu.dma_semaphore, #tpu.memory_space<semaphore_mem>>)
    %add3A_8 = arith.constant 32 : i32
    %add3A_9 = arith.addi %mul3A_2, %add3A_8 : i32
    %dma_start3A_10 = arith.constant 0 : i32
    %dma_start3A_11 = tpu.memref_slice %arg2[%add3A_9, %dma_start3A_10] : memref<8192x1024xf32, #tpu.memory_space<hbm>> -> memref<32x1024xf32, #tpu.memory_space<hbm>>
    %dma_start3A_12 = arith.constant 0 : i32
    %dma_start3A_13 = tpu.memref_slice %arg2[%add3A_9, %dma_start3A_12] : memref<8192x1024xf32, #tpu.memory_space<hbm>> -> memref<32x1024xf32, #tpu.memory_space<hbm>>
    tpu.enqueue_dma source(%dma_start3A_13 : memref<32x1024xf32, #tpu.memory_space<hbm>>) target(%arg5 : memref<32x1024xf32, #tpu.memory_space<vmem>>) target_semaphore(%arg7 : memref<!tpu.dma_semaphore, #tpu.memory_space<semaphore_mem>>)
    %add3A_14 = arith.constant 0 : i32
    %add3A_15 = arith.addi %mul3A_2, %add3A_14 : i32
    %dma_wait3A = arith.constant 0 : i32
    %dma_wait3A_16 = tpu.memref_slice %arg2[%add3A_15, %dma_wait3A] : memref<8192x1024xf32, #tpu.memory_space<hbm>> -> memref<32x1024xf32, #tpu.memory_space<hbm>>
    %dma_wait3A_17 = arith.constant 0 : i32
    %dma_wait3A_18 = tpu.memref_slice %arg2[%add3A_15, %dma_wait3A_17] : memref<8192x1024xf32, #tpu.memory_space<hbm>> -> memref<32x1024xf32, #tpu.memory_space<hbm>>
    tpu.wait_dma2 semaphore(%arg6 : memref<!tpu.dma_semaphore, #tpu.memory_space<semaphore_mem>>) src(%dma_wait3A_18 : memref<32x1024xf32, #tpu.memory_space<hbm>>) dst(%arg4 : memref<32x1024xf32, #tpu.memory_space<vmem>>)
    %add3A_19 = arith.constant 0 : i32
    %add3A_20 = arith.addi %mul3A_2, %add3A_19 : i32
    %add3A_21 = arith.constant 0 : i32
    %add3A_22 = arith.addi %mul3A_2, %add3A_21 : i32
    %add3A_23 = arith.constant 0 : i32
    %add3A_24 = arith.addi %mul3A_2, %add3A_23 : i32
    %add3A_25 = arith.constant 0 : i32
    %add3A_26 = arith.addi %mul3A_2, %add3A_25 : i32
    %dma_start3A_27 = arith.constant 0 : i32
    %dma_start3A_28 = arith.constant 0 : i32
    %dma_start3A_29 = arith.constant 0 : i32
    %dma_start3A_30 = tpu.memref_slice %arg3[%dma_start3A_27, %dma_start3A_28, %dma_start3A_29] : memref<4x4096x1024xf32, #tpu.memory_space<hbm>> -> memref<1x4096x1024xf32, #tpu.memory_space<hbm>>
    %dma_start3A_31 = tpu.memref_squeeze %dma_start3A_30 : memref<1x4096x1024xf32, #tpu.memory_space<hbm>> -> memref<4096x1024xf32, #tpu.memory_space<hbm>>
    %dma_start3A_32 = arith.constant 0 : i32
    %dma_start3A_33 = tpu.memref_slice %dma_start3A_31[%add3A_20, %dma_start3A_32] : memref<4096x1024xf32, #tpu.memory_space<hbm>> -> memref<32x1024xf32, #tpu.memory_space<hbm>>
    %dma_start3A_34 = arith.constant 0 : i32
    %dma_start3A_35 = arith.constant 0 : i32
    %dma_start3A_36 = tpu.memref_slice %arg3[%dma_start3A_27, %dma_start3A_34, %dma_start3A_35] : memref<4x4096x1024xf32, #tpu.memory_space<hbm>> -> memref<1x4096x1024xf32, #tpu.memory_space<hbm>>
    %dma_start3A_37 = tpu.memref_squeeze %dma_start3A_36 : memref<1x4096x1024xf32, #tpu.memory_space<hbm>> -> memref<4096x1024xf32, #tpu.memory_space<hbm>>
    %dma_start3A_38 = arith.constant 0 : i32
    %dma_start3A_39 = tpu.memref_slice %dma_start3A_37[%add3A_20, %dma_start3A_38] : memref<4096x1024xf32, #tpu.memory_space<hbm>> -> memref<32x1024xf32, #tpu.memory_space<hbm>>
    tpu.enqueue_dma source(%arg4 : memref<32x1024xf32, #tpu.memory_space<vmem>>) target(%dma_start3A_39 : memref<32x1024xf32, #tpu.memory_space<hbm>>) target_semaphore(%arg8 : memref<!tpu.dma_semaphore, #tpu.memory_space<semaphore_mem>>)
    %dma_start3A_40 = arith.constant 1 : i32
    %dma_start3A_41 = arith.constant 0 : i32
    %dma_start3A_42 = arith.constant 0 : i32
    %dma_start3A_43 = tpu.memref_slice %arg3[%dma_start3A_40, %dma_start3A_41, %dma_start3A_42] : memref<4x4096x1024xf32, #tpu.memory_space<hbm>> -> memref<1x4096x1024xf32, #tpu.memory_space<hbm>>
    %dma_start3A_44 = tpu.memref_squeeze %dma_start3A_43 : memref<1x4096x1024xf32, #tpu.memory_space<hbm>> -> memref<4096x1024xf32, #tpu.memory_space<hbm>>
    %dma_start3A_45 = arith.constant 0 : i32
    %dma_start3A_46 = tpu.memref_slice %dma_start3A_44[%add3A_22, %dma_start3A_45] : memref<4096x1024xf32, #tpu.memory_space<hbm>> -> memref<32x1024xf32, #tpu.memory_space<hbm>>
    %dma_start3A_47 = arith.constant 0 : i32
    %dma_start3A_48 = arith.constant 0 : i32
    %dma_start3A_49 = tpu.memref_slice %arg3[%dma_start3A_40, %dma_start3A_47, %dma_start3A_48] : memref<4x4096x1024xf32, #tpu.memory_space<hbm>> -> memref<1x4096x1024xf32, #tpu.memory_space<hbm>>
    %dma_start3A_50 = tpu.memref_squeeze %dma_start3A_49 : memref<1x4096x1024xf32, #tpu.memory_space<hbm>> -> memref<4096x1024xf32, #tpu.memory_space<hbm>>
    %dma_start3A_51 = arith.constant 0 : i32
    %dma_start3A_52 = tpu.memref_slice %dma_start3A_50[%add3A_22, %dma_start3A_51] : memref<4096x1024xf32, #tpu.memory_space<hbm>> -> memref<32x1024xf32, #tpu.memory_space<hbm>>
    tpu.enqueue_dma source(%arg4 : memref<32x1024xf32, #tpu.memory_space<vmem>>) target(%dma_start3A_52 : memref<32x1024xf32, #tpu.memory_space<hbm>>) target_semaphore(%arg8 : memref<!tpu.dma_semaphore, #tpu.memory_space<semaphore_mem>>)
    %dma_start3A_53 = arith.constant 2 : i32
    %dma_start3A_54 = arith.constant 0 : i32
    %dma_start3A_55 = arith.constant 0 : i32
    %dma_start3A_56 = tpu.memref_slice %arg3[%dma_start3A_53, %dma_start3A_54, %dma_start3A_55] : memref<4x4096x1024xf32, #tpu.memory_space<hbm>> -> memref<1x4096x1024xf32, #tpu.memory_space<hbm>>
    %dma_start3A_57 = tpu.memref_squeeze %dma_start3A_56 : memref<1x4096x1024xf32, #tpu.memory_space<hbm>> -> memref<4096x1024xf32, #tpu.memory_space<hbm>>
    %dma_start3A_58 = arith.constant 0 : i32
    %dma_start3A_59 = tpu.memref_slice %dma_start3A_57[%add3A_24, %dma_start3A_58] : memref<4096x1024xf32, #tpu.memory_space<hbm>> -> memref<32x1024xf32, #tpu.memory_space<hbm>>
    %dma_start3A_60 = arith.constant 0 : i32
    %dma_start3A_61 = arith.constant 0 : i32
    %dma_start3A_62 = tpu.memref_slice %arg3[%dma_start3A_53, %dma_start3A_60, %dma_start3A_61] : memref<4x4096x1024xf32, #tpu.memory_space<hbm>> -> memref<1x4096x1024xf32, #tpu.memory_space<hbm>>
    %dma_start3A_63 = tpu.memref_squeeze %dma_start3A_62 : memref<1x4096x1024xf32, #tpu.memory_space<hbm>> -> memref<4096x1024xf32, #tpu.memory_space<hbm>>
    %dma_start3A_64 = arith.constant 0 : i32
    %dma_start3A_65 = tpu.memref_slice %dma_start3A_63[%add3A_24, %dma_start3A_64] : memref<4096x1024xf32, #tpu.memory_space<hbm>> -> memref<32x1024xf32, #tpu.memory_space<hbm>>
    tpu.enqueue_dma source(%arg4 : memref<32x1024xf32, #tpu.memory_space<vmem>>) target(%dma_start3A_65 : memref<32x1024xf32, #tpu.memory_space<hbm>>) target_semaphore(%arg8 : memref<!tpu.dma_semaphore, #tpu.memory_space<semaphore_mem>>)
    %dma_start3A_66 = arith.constant 3 : i32
    %dma_start3A_67 = arith.constant 0 : i32
    %dma_start3A_68 = arith.constant 0 : i32
    %dma_start3A_69 = tpu.memref_slice %arg3[%dma_start3A_66, %dma_start3A_67, %dma_start3A_68] : memref<4x4096x1024xf32, #tpu.memory_space<hbm>> -> memref<1x4096x1024xf32, #tpu.memory_space<hbm>>
    %dma_start3A_70 = tpu.memref_squeeze %dma_start3A_69 : memref<1x4096x1024xf32, #tpu.memory_space<hbm>> -> memref<4096x1024xf32, #tpu.memory_space<hbm>>
    %dma_start3A_71 = arith.constant 0 : i32
    %dma_start3A_72 = tpu.memref_slice %dma_start3A_70[%add3A_26, %dma_start3A_71] : memref<4096x1024xf32, #tpu.memory_space<hbm>> -> memref<32x1024xf32, #tpu.memory_space<hbm>>
    %dma_start3A_73 = arith.constant 0 : i32
    %dma_start3A_74 = arith.constant 0 : i32
    %dma_start3A_75 = tpu.memref_slice %arg3[%dma_start3A_66, %dma_start3A_73, %dma_start3A_74] : memref<4x4096x1024xf32, #tpu.memory_space<hbm>> -> memref<1x4096x1024xf32, #tpu.memory_space<hbm>>
    %dma_start3A_76 = tpu.memref_squeeze %dma_start3A_75 : memref<1x4096x1024xf32, #tpu.memory_space<hbm>> -> memref<4096x1024xf32, #tpu.memory_space<hbm>>
    %dma_start3A_77 = arith.constant 0 : i32
    %dma_start3A_78 = tpu.memref_slice %dma_start3A_76[%add3A_26, %dma_start3A_77] : memref<4096x1024xf32, #tpu.memory_space<hbm>> -> memref<32x1024xf32, #tpu.memory_space<hbm>>
    tpu.enqueue_dma source(%arg4 : memref<32x1024xf32, #tpu.memory_space<vmem>>) target(%dma_start3A_78 : memref<32x1024xf32, #tpu.memory_space<hbm>>) target_semaphore(%arg8 : memref<!tpu.dma_semaphore, #tpu.memory_space<semaphore_mem>>)
    %add3A_79 = arith.constant 32 : i32
    %add3A_80 = arith.addi %mul3A_2, %add3A_79 : i32
    %dma_wait3A_81 = arith.constant 0 : i32
    %dma_wait3A_82 = tpu.memref_slice %arg2[%add3A_80, %dma_wait3A_81] : memref<8192x1024xf32, #tpu.memory_space<hbm>> -> memref<32x1024xf32, #tpu.memory_space<hbm>>
    %dma_wait3A_83 = arith.constant 0 : i32
    %dma_wait3A_84 = tpu.memref_slice %arg2[%add3A_80, %dma_wait3A_83] : memref<8192x1024xf32, #tpu.memory_space<hbm>> -> memref<32x1024xf32, #tpu.memory_space<hbm>>
    tpu.wait_dma2 semaphore(%arg7 : memref<!tpu.dma_semaphore, #tpu.memory_space<semaphore_mem>>) src(%dma_wait3A_84 : memref<32x1024xf32, #tpu.memory_space<hbm>>) dst(%arg5 : memref<32x1024xf32, #tpu.memory_space<vmem>>)
    %add3A_85 = arith.constant 32 : i32
    %add3A_86 = arith.addi %mul3A_2, %add3A_85 : i32
    %add3A_87 = arith.constant 32 : i32
    %add3A_88 = arith.addi %mul3A_2, %add3A_87 : i32
    %add3A_89 = arith.constant 32 : i32
    %add3A_90 = arith.addi %mul3A_2, %add3A_89 : i32
    %add3A_91 = arith.constant 32 : i32
    %add3A_92 = arith.addi %mul3A_2, %add3A_91 : i32
    %dma_start3A_93 = arith.constant 0 : i32
    %dma_start3A_94 = arith.constant 0 : i32
    %dma_start3A_95 = arith.constant 0 : i32
    %dma_start3A_96 = tpu.memref_slice %arg3[%dma_start3A_93, %dma_start3A_94, %dma_start3A_95] : memref<4x4096x1024xf32, #tpu.memory_space<hbm>> -> memref<1x4096x1024xf32, #tpu.memory_space<hbm>>
    %dma_start3A_97 = tpu.memref_squeeze %dma_start3A_96 : memref<1x4096x1024xf32, #tpu.memory_space<hbm>> -> memref<4096x1024xf32, #tpu.memory_space<hbm>>
    %dma_start3A_98 = arith.constant 0 : i32
    %dma_start3A_99 = tpu.memref_slice %dma_start3A_97[%add3A_86, %dma_start3A_98] : memref<4096x1024xf32, #tpu.memory_space<hbm>> -> memref<32x1024xf32, #tpu.memory_space<hbm>>
    %dma_start3A_100 = arith.constant 0 : i32
    %dma_start3A_101 = arith.constant 0 : i32
    %dma_start3A_102 = tpu.memref_slice %arg3[%dma_start3A_93, %dma_start3A_100, %dma_start3A_101] : memref<4x4096x1024xf32, #tpu.memory_space<hbm>> -> memref<1x4096x1024xf32, #tpu.memory_space<hbm>>
    %dma_start3A_103 = tpu.memref_squeeze %dma_start3A_102 : memref<1x4096x1024xf32, #tpu.memory_space<hbm>> -> memref<4096x1024xf32, #tpu.memory_space<hbm>>
    %dma_start3A_104 = arith.constant 0 : i32
    %dma_start3A_105 = tpu.memref_slice %dma_start3A_103[%add3A_86, %dma_start3A_104] : memref<4096x1024xf32, #tpu.memory_space<hbm>> -> memref<32x1024xf32, #tpu.memory_space<hbm>>
    tpu.enqueue_dma source(%arg5 : memref<32x1024xf32, #tpu.memory_space<vmem>>) target(%dma_start3A_105 : memref<32x1024xf32, #tpu.memory_space<hbm>>) target_semaphore(%arg9 : memref<!tpu.dma_semaphore, #tpu.memory_space<semaphore_mem>>)
    %dma_start3A_106 = arith.constant 1 : i32
    %dma_start3A_107 = arith.constant 0 : i32
    %dma_start3A_108 = arith.constant 0 : i32
    %dma_start3A_109 = tpu.memref_slice %arg3[%dma_start3A_106, %dma_start3A_107, %dma_start3A_108] : memref<4x4096x1024xf32, #tpu.memory_space<hbm>> -> memref<1x4096x1024xf32, #tpu.memory_space<hbm>>
    %dma_start3A_110 = tpu.memref_squeeze %dma_start3A_109 : memref<1x4096x1024xf32, #tpu.memory_space<hbm>> -> memref<4096x1024xf32, #tpu.memory_space<hbm>>
    %dma_start3A_111 = arith.constant 0 : i32
    %dma_start3A_112 = tpu.memref_slice %dma_start3A_110[%add3A_88, %dma_start3A_111] : memref<4096x1024xf32, #tpu.memory_space<hbm>> -> memref<32x1024xf32, #tpu.memory_space<hbm>>
    %dma_start3A_113 = arith.constant 0 : i32
    %dma_start3A_114 = arith.constant 0 : i32
    %dma_start3A_115 = tpu.memref_slice %arg3[%dma_start3A_106, %dma_start3A_113, %dma_start3A_114] : memref<4x4096x1024xf32, #tpu.memory_space<hbm>> -> memref<1x4096x1024xf32, #tpu.memory_space<hbm>>
    %dma_start3A_116 = tpu.memref_squeeze %dma_start3A_115 : memref<1x4096x1024xf32, #tpu.memory_space<hbm>> -> memref<4096x1024xf32, #tpu.memory_space<hbm>>
    %dma_start3A_117 = arith.constant 0 : i32
    %dma_start3A_118 = tpu.memref_slice %dma_start3A_116[%add3A_88, %dma_start3A_117] : memref<4096x1024xf32, #tpu.memory_space<hbm>> -> memref<32x1024xf32, #tpu.memory_space<hbm>>
    tpu.enqueue_dma source(%arg5 : memref<32x1024xf32, #tpu.memory_space<vmem>>) target(%dma_start3A_118 : memref<32x1024xf32, #tpu.memory_space<hbm>>) target_semaphore(%arg9 : memref<!tpu.dma_semaphore, #tpu.memory_space<semaphore_mem>>)
    %dma_start3A_119 = arith.constant 2 : i32
    %dma_start3A_120 = arith.constant 0 : i32
    %dma_start3A_121 = arith.constant 0 : i32
    %dma_start3A_122 = tpu.memref_slice %arg3[%dma_start3A_119, %dma_start3A_120, %dma_start3A_121] : memref<4x4096x1024xf32, #tpu.memory_space<hbm>> -> memref<1x4096x1024xf32, #tpu.memory_space<hbm>>
    %dma_start3A_123 = tpu.memref_squeeze %dma_start3A_122 : memref<1x4096x1024xf32, #tpu.memory_space<hbm>> -> memref<4096x1024xf32, #tpu.memory_space<hbm>>
    %dma_start3A_124 = arith.constant 0 : i32
    %dma_start3A_125 = tpu.memref_slice %dma_start3A_123[%add3A_90, %dma_start3A_124] : memref<4096x1024xf32, #tpu.memory_space<hbm>> -> memref<32x1024xf32, #tpu.memory_space<hbm>>
    %dma_start3A_126 = arith.constant 0 : i32
    %dma_start3A_127 = arith.constant 0 : i32
    %dma_start3A_128 = tpu.memref_slice %arg3[%dma_start3A_119, %dma_start3A_126, %dma_start3A_127] : memref<4x4096x1024xf32, #tpu.memory_space<hbm>> -> memref<1x4096x1024xf32, #tpu.memory_space<hbm>>
    %dma_start3A_129 = tpu.memref_squeeze %dma_start3A_128 : memref<1x4096x1024xf32, #tpu.memory_space<hbm>> -> memref<4096x1024xf32, #tpu.memory_space<hbm>>
    %dma_start3A_130 = arith.constant 0 : i32
    %dma_start3A_131 = tpu.memref_slice %dma_start3A_129[%add3A_90, %dma_start3A_130] : memref<4096x1024xf32, #tpu.memory_space<hbm>> -> memref<32x1024xf32, #tpu.memory_space<hbm>>
    tpu.enqueue_dma source(%arg5 : memref<32x1024xf32, #tpu.memory_space<vmem>>) target(%dma_start3A_131 : memref<32x1024xf32, #tpu.memory_space<hbm>>) target_semaphore(%arg9 : memref<!tpu.dma_semaphore, #tpu.memory_space<semaphore_mem>>)
    %dma_start3A_132 = arith.constant 3 : i32
    %dma_start3A_133 = arith.constant 0 : i32
    %dma_start3A_134 = arith.constant 0 : i32
    %dma_start3A_135 = tpu.memref_slice %arg3[%dma_start3A_132, %dma_start3A_133, %dma_start3A_134] : memref<4x4096x1024xf32, #tpu.memory_space<hbm>> -> memref<1x4096x1024xf32, #tpu.memory_space<hbm>>
    %dma_start3A_136 = tpu.memref_squeeze %dma_start3A_135 : memref<1x4096x1024xf32, #tpu.memory_space<hbm>> -> memref<4096x1024xf32, #tpu.memory_space<hbm>>
    %dma_start3A_137 = arith.constant 0 : i32
    %dma_start3A_138 = tpu.memref_slice %dma_start3A_136[%add3A_92, %dma_start3A_137] : memref<4096x1024xf32, #tpu.memory_space<hbm>> -> memref<32x1024xf32, #tpu.memory_space<hbm>>
    %dma_start3A_139 = arith.constant 0 : i32
    %dma_start3A_140 = arith.constant 0 : i32
    %dma_start3A_141 = tpu.memref_slice %arg3[%dma_start3A_132, %dma_start3A_139, %dma_start3A_140] : memref<4x4096x1024xf32, #tpu.memory_space<hbm>> -> memref<1x4096x1024xf32, #tpu.memory_space<hbm>>
    %dma_start3A_142 = tpu.memref_squeeze %dma_start3A_141 : memref<1x4096x1024xf32, #tpu.memory_space<hbm>> -> memref<4096x1024xf32, #tpu.memory_space<hbm>>
    %dma_start3A_143 = arith.constant 0 : i32
    %dma_start3A_144 = tpu.memref_slice %dma_start3A_142[%add3A_92, %dma_start3A_143] : memref<4096x1024xf32, #tpu.memory_space<hbm>> -> memref<32x1024xf32, #tpu.memory_space<hbm>>
    tpu.enqueue_dma source(%arg5 : memref<32x1024xf32, #tpu.memory_space<vmem>>) target(%dma_start3A_144 : memref<32x1024xf32, #tpu.memory_space<hbm>>) target_semaphore(%arg9 : memref<!tpu.dma_semaphore, #tpu.memory_space<semaphore_mem>>)
    %add3A_145 = arith.constant 0 : i32
    %add3A_146 = arith.addi %mul3A_2, %add3A_145 : i32
    %add3A_147 = arith.constant 0 : i32
    %add3A_148 = arith.addi %mul3A_2, %add3A_147 : i32
    %add3A_149 = arith.constant 0 : i32
    %add3A_150 = arith.addi %mul3A_2, %add3A_149 : i32
    %add3A_151 = arith.constant 0 : i32
    %add3A_152 = arith.addi %mul3A_2, %add3A_151 : i32
    %dma_wait3A_153 = arith.constant 0 : i32
    %dma_wait3A_154 = arith.constant 0 : i32
    %dma_wait3A_155 = arith.constant 0 : i32
    %dma_wait3A_156 = tpu.memref_slice %arg3[%dma_wait3A_153, %dma_wait3A_154, %dma_wait3A_155] : memref<4x4096x1024xf32, #tpu.memory_space<hbm>> -> memref<1x4096x1024xf32, #tpu.memory_space<hbm>>
    %dma_wait3A_157 = tpu.memref_squeeze %dma_wait3A_156 : memref<1x4096x1024xf32, #tpu.memory_space<hbm>> -> memref<4096x1024xf32, #tpu.memory_space<hbm>>
    %dma_wait3A_158 = arith.constant 0 : i32
    %dma_wait3A_159 = tpu.memref_slice %dma_wait3A_157[%add3A_146, %dma_wait3A_158] : memref<4096x1024xf32, #tpu.memory_space<hbm>> -> memref<32x1024xf32, #tpu.memory_space<hbm>>
    %dma_wait3A_160 = arith.constant 0 : i32
    %dma_wait3A_161 = arith.constant 0 : i32
    %dma_wait3A_162 = tpu.memref_slice %arg3[%dma_wait3A_153, %dma_wait3A_160, %dma_wait3A_161] : memref<4x4096x1024xf32, #tpu.memory_space<hbm>> -> memref<1x4096x1024xf32, #tpu.memory_space<hbm>>
    %dma_wait3A_163 = tpu.memref_squeeze %dma_wait3A_162 : memref<1x4096x1024xf32, #tpu.memory_space<hbm>> -> memref<4096x1024xf32, #tpu.memory_space<hbm>>
    %dma_wait3A_164 = arith.constant 0 : i32
    %dma_wait3A_165 = tpu.memref_slice %dma_wait3A_163[%add3A_146, %dma_wait3A_164] : memref<4096x1024xf32, #tpu.memory_space<hbm>> -> memref<32x1024xf32, #tpu.memory_space<hbm>>
    tpu.wait_dma2 semaphore(%arg8 : memref<!tpu.dma_semaphore, #tpu.memory_space<semaphore_mem>>) src(%arg4 : memref<32x1024xf32, #tpu.memory_space<vmem>>) dst(%dma_wait3A_165 : memref<32x1024xf32, #tpu.memory_space<hbm>>)
    %dma_wait3A_166 = arith.constant 1 : i32
    %dma_wait3A_167 = arith.constant 0 : i32
    %dma_wait3A_168 = arith.constant 0 : i32
    %dma_wait3A_169 = tpu.memref_slice %arg3[%dma_wait3A_166, %dma_wait3A_167, %dma_wait3A_168] : memref<4x4096x1024xf32, #tpu.memory_space<hbm>> -> memref<1x4096x1024xf32, #tpu.memory_space<hbm>>
    %dma_wait3A_170 = tpu.memref_squeeze %dma_wait3A_169 : memref<1x4096x1024xf32, #tpu.memory_space<hbm>> -> memref<4096x1024xf32, #tpu.memory_space<hbm>>
    %dma_wait3A_171 = arith.constant 0 : i32
    %dma_wait3A_172 = tpu.memref_slice %dma_wait3A_170[%add3A_148, %dma_wait3A_171] : memref<4096x1024xf32, #tpu.memory_space<hbm>> -> memref<32x1024xf32, #tpu.memory_space<hbm>>
    %dma_wait3A_173 = arith.constant 0 : i32
    %dma_wait3A_174 = arith.constant 0 : i32
    %dma_wait3A_175 = tpu.memref_slice %arg3[%dma_wait3A_166, %dma_wait3A_173, %dma_wait3A_174] : memref<4x4096x1024xf32, #tpu.memory_space<hbm>> -> memref<1x4096x1024xf32, #tpu.memory_space<hbm>>
    %dma_wait3A_176 = tpu.memref_squeeze %dma_wait3A_175 : memref<1x4096x1024xf32, #tpu.memory_space<hbm>> -> memref<4096x1024xf32, #tpu.memory_space<hbm>>
    %dma_wait3A_177 = arith.constant 0 : i32
    %dma_wait3A_178 = tpu.memref_slice %dma_wait3A_176[%add3A_148, %dma_wait3A_177] : memref<4096x1024xf32, #tpu.memory_space<hbm>> -> memref<32x1024xf32, #tpu.memory_space<hbm>>
    tpu.wait_dma2 semaphore(%arg8 : memref<!tpu.dma_semaphore, #tpu.memory_space<semaphore_mem>>) src(%arg4 : memref<32x1024xf32, #tpu.memory_space<vmem>>) dst(%dma_wait3A_178 : memref<32x1024xf32, #tpu.memory_space<hbm>>)
    %dma_wait3A_179 = arith.constant 2 : i32
    %dma_wait3A_180 = arith.constant 0 : i32
    %dma_wait3A_181 = arith.constant 0 : i32
    %dma_wait3A_182 = tpu.memref_slice %arg3[%dma_wait3A_179, %dma_wait3A_180, %dma_wait3A_181] : memref<4x4096x1024xf32, #tpu.memory_space<hbm>> -> memref<1x4096x1024xf32, #tpu.memory_space<hbm>>
    %dma_wait3A_183 = tpu.memref_squeeze %dma_wait3A_182 : memref<1x4096x1024xf32, #tpu.memory_space<hbm>> -> memref<4096x1024xf32, #tpu.memory_space<hbm>>
    %dma_wait3A_184 = arith.constant 0 : i32
    %dma_wait3A_185 = tpu.memref_slice %dma_wait3A_183[%add3A_150, %dma_wait3A_184] : memref<4096x1024xf32, #tpu.memory_space<hbm>> -> memref<32x1024xf32, #tpu.memory_space<hbm>>
    %dma_wait3A_186 = arith.constant 0 : i32
    %dma_wait3A_187 = arith.constant 0 : i32
    %dma_wait3A_188 = tpu.memref_slice %arg3[%dma_wait3A_179, %dma_wait3A_186, %dma_wait3A_187] : memref<4x4096x1024xf32, #tpu.memory_space<hbm>> -> memref<1x4096x1024xf32, #tpu.memory_space<hbm>>
    %dma_wait3A_189 = tpu.memref_squeeze %dma_wait3A_188 : memref<1x4096x1024xf32, #tpu.memory_space<hbm>> -> memref<4096x1024xf32, #tpu.memory_space<hbm>>
    %dma_wait3A_190 = arith.constant 0 : i32
    %dma_wait3A_191 = tpu.memref_slice %dma_wait3A_189[%add3A_150, %dma_wait3A_190] : memref<4096x1024xf32, #tpu.memory_space<hbm>> -> memref<32x1024xf32, #tpu.memory_space<hbm>>
    tpu.wait_dma2 semaphore(%arg8 : memref<!tpu.dma_semaphore, #tpu.memory_space<semaphore_mem>>) src(%arg4 : memref<32x1024xf32, #tpu.memory_space<vmem>>) dst(%dma_wait3A_191 : memref<32x1024xf32, #tpu.memory_space<hbm>>)
    %dma_wait3A_192 = arith.constant 3 : i32
    %dma_wait3A_193 = arith.constant 0 : i32
    %dma_wait3A_194 = arith.constant 0 : i32
    %dma_wait3A_195 = tpu.memref_slice %arg3[%dma_wait3A_192, %dma_wait3A_193, %dma_wait3A_194] : memref<4x4096x1024xf32, #tpu.memory_space<hbm>> -> memref<1x4096x1024xf32, #tpu.memory_space<hbm>>
    %dma_wait3A_196 = tpu.memref_squeeze %dma_wait3A_195 : memref<1x4096x1024xf32, #tpu.memory_space<hbm>> -> memref<4096x1024xf32, #tpu.memory_space<hbm>>
    %dma_wait3A_197 = arith.constant 0 : i32
    %dma_wait3A_198 = tpu.memref_slice %dma_wait3A_196[%add3A_152, %dma_wait3A_197] : memref<4096x1024xf32, #tpu.memory_space<hbm>> -> memref<32x1024xf32, #tpu.memory_space<hbm>>
    %dma_wait3A_199 = arith.constant 0 : i32
    %dma_wait3A_200 = arith.constant 0 : i32
    %dma_wait3A_201 = tpu.memref_slice %arg3[%dma_wait3A_192, %dma_wait3A_199, %dma_wait3A_200] : memref<4x4096x1024xf32, #tpu.memory_space<hbm>> -> memref<1x4096x1024xf32, #tpu.memory_space<hbm>>
    %dma_wait3A_202 = tpu.memref_squeeze %dma_wait3A_201 : memref<1x4096x1024xf32, #tpu.memory_space<hbm>> -> memref<4096x1024xf32, #tpu.memory_space<hbm>>
    %dma_wait3A_203 = arith.constant 0 : i32
    %dma_wait3A_204 = tpu.memref_slice %dma_wait3A_202[%add3A_152, %dma_wait3A_203] : memref<4096x1024xf32, #tpu.memory_space<hbm>> -> memref<32x1024xf32, #tpu.memory_space<hbm>>
    tpu.wait_dma2 semaphore(%arg8 : memref<!tpu.dma_semaphore, #tpu.memory_space<semaphore_mem>>) src(%arg4 : memref<32x1024xf32, #tpu.memory_space<vmem>>) dst(%dma_wait3A_204 : memref<32x1024xf32, #tpu.memory_space<hbm>>)
    %add3A_205 = arith.constant 32 : i32
    %add3A_206 = arith.addi %mul3A_2, %add3A_205 : i32
    %add3A_207 = arith.constant 32 : i32
    %add3A_208 = arith.addi %mul3A_2, %add3A_207 : i32
    %add3A_209 = arith.constant 32 : i32
    %add3A_210 = arith.addi %mul3A_2, %add3A_209 : i32
    %add3A_211 = arith.constant 32 : i32
    %add3A_212 = arith.addi %mul3A_2, %add3A_211 : i32
    %dma_wait3A_213 = arith.constant 0 : i32
    %dma_wait3A_214 = arith.constant 0 : i32
    %dma_wait3A_215 = arith.constant 0 : i32
    %dma_wait3A_216 = tpu.memref_slice %arg3[%dma_wait3A_213, %dma_wait3A_214, %dma_wait3A_215] : memref<4x4096x1024xf32, #tpu.memory_space<hbm>> -> memref<1x4096x1024xf32, #tpu.memory_space<hbm>>
    %dma_wait3A_217 = tpu.memref_squeeze %dma_wait3A_216 : memref<1x4096x1024xf32, #tpu.memory_space<hbm>> -> memref<4096x1024xf32, #tpu.memory_space<hbm>>
    %dma_wait3A_218 = arith.constant 0 : i32
    %dma_wait3A_219 = tpu.memref_slice %dma_wait3A_217[%add3A_206, %dma_wait3A_218] : memref<4096x1024xf32, #tpu.memory_space<hbm>> -> memref<32x1024xf32, #tpu.memory_space<hbm>>
    %dma_wait3A_220 = arith.constant 0 : i32
    %dma_wait3A_221 = arith.constant 0 : i32
    %dma_wait3A_222 = tpu.memref_slice %arg3[%dma_wait3A_213, %dma_wait3A_220, %dma_wait3A_221] : memref<4x4096x1024xf32, #tpu.memory_space<hbm>> -> memref<1x4096x1024xf32, #tpu.memory_space<hbm>>
    %dma_wait3A_223 = tpu.memref_squeeze %dma_wait3A_222 : memref<1x4096x1024xf32, #tpu.memory_space<hbm>> -> memref<4096x1024xf32, #tpu.memory_space<hbm>>
    %dma_wait3A_224 = arith.constant 0 : i32
    %dma_wait3A_225 = tpu.memref_slice %dma_wait3A_223[%add3A_206, %dma_wait3A_224] : memref<4096x1024xf32, #tpu.memory_space<hbm>> -> memref<32x1024xf32, #tpu.memory_space<hbm>>
    tpu.wait_dma2 semaphore(%arg9 : memref<!tpu.dma_semaphore, #tpu.memory_space<semaphore_mem>>) src(%arg5 : memref<32x1024xf32, #tpu.memory_space<vmem>>) dst(%dma_wait3A_225 : memref<32x1024xf32, #tpu.memory_space<hbm>>)
    %dma_wait3A_226 = arith.constant 1 : i32
    %dma_wait3A_227 = arith.constant 0 : i32
    %dma_wait3A_228 = arith.constant 0 : i32
    %dma_wait3A_229 = tpu.memref_slice %arg3[%dma_wait3A_226, %dma_wait3A_227, %dma_wait3A_228] : memref<4x4096x1024xf32, #tpu.memory_space<hbm>> -> memref<1x4096x1024xf32, #tpu.memory_space<hbm>>
    %dma_wait3A_230 = tpu.memref_squeeze %dma_wait3A_229 : memref<1x4096x1024xf32, #tpu.memory_space<hbm>> -> memref<4096x1024xf32, #tpu.memory_space<hbm>>
    %dma_wait3A_231 = arith.constant 0 : i32
    %dma_wait3A_232 = tpu.memref_slice %dma_wait3A_230[%add3A_208, %dma_wait3A_231] : memref<4096x1024xf32, #tpu.memory_space<hbm>> -> memref<32x1024xf32, #tpu.memory_space<hbm>>
    %dma_wait3A_233 = arith.constant 0 : i32
    %dma_wait3A_234 = arith.constant 0 : i32
    %dma_wait3A_235 = tpu.memref_slice %arg3[%dma_wait3A_226, %dma_wait3A_233, %dma_wait3A_234] : memref<4x4096x1024xf32, #tpu.memory_space<hbm>> -> memref<1x4096x1024xf32, #tpu.memory_space<hbm>>
    %dma_wait3A_236 = tpu.memref_squeeze %dma_wait3A_235 : memref<1x4096x1024xf32, #tpu.memory_space<hbm>> -> memref<4096x1024xf32, #tpu.memory_space<hbm>>
    %dma_wait3A_237 = arith.constant 0 : i32
    %dma_wait3A_238 = tpu.memref_slice %dma_wait3A_236[%add3A_208, %dma_wait3A_237] : memref<4096x1024xf32, #tpu.memory_space<hbm>> -> memref<32x1024xf32, #tpu.memory_space<hbm>>
    tpu.wait_dma2 semaphore(%arg9 : memref<!tpu.dma_semaphore, #tpu.memory_space<semaphore_mem>>) src(%arg5 : memref<32x1024xf32, #tpu.memory_space<vmem>>) dst(%dma_wait3A_238 : memref<32x1024xf32, #tpu.memory_space<hbm>>)
    %dma_wait3A_239 = arith.constant 2 : i32
    %dma_wait3A_240 = arith.constant 0 : i32
    %dma_wait3A_241 = arith.constant 0 : i32
    %dma_wait3A_242 = tpu.memref_slice %arg3[%dma_wait3A_239, %dma_wait3A_240, %dma_wait3A_241] : memref<4x4096x1024xf32, #tpu.memory_space<hbm>> -> memref<1x4096x1024xf32, #tpu.memory_space<hbm>>
    %dma_wait3A_243 = tpu.memref_squeeze %dma_wait3A_242 : memref<1x4096x1024xf32, #tpu.memory_space<hbm>> -> memref<4096x1024xf32, #tpu.memory_space<hbm>>
    %dma_wait3A_244 = arith.constant 0 : i32
    %dma_wait3A_245 = tpu.memref_slice %dma_wait3A_243[%add3A_210, %dma_wait3A_244] : memref<4096x1024xf32, #tpu.memory_space<hbm>> -> memref<32x1024xf32, #tpu.memory_space<hbm>>
    %dma_wait3A_246 = arith.constant 0 : i32
    %dma_wait3A_247 = arith.constant 0 : i32
    %dma_wait3A_248 = tpu.memref_slice %arg3[%dma_wait3A_239, %dma_wait3A_246, %dma_wait3A_247] : memref<4x4096x1024xf32, #tpu.memory_space<hbm>> -> memref<1x4096x1024xf32, #tpu.memory_space<hbm>>
    %dma_wait3A_249 = tpu.memref_squeeze %dma_wait3A_248 : memref<1x4096x1024xf32, #tpu.memory_space<hbm>> -> memref<4096x1024xf32, #tpu.memory_space<hbm>>
    %dma_wait3A_250 = arith.constant 0 : i32
    %dma_wait3A_251 = tpu.memref_slice %dma_wait3A_249[%add3A_210, %dma_wait3A_250] : memref<4096x1024xf32, #tpu.memory_space<hbm>> -> memref<32x1024xf32, #tpu.memory_space<hbm>>
    tpu.wait_dma2 semaphore(%arg9 : memref<!tpu.dma_semaphore, #tpu.memory_space<semaphore_mem>>) src(%arg5 : memref<32x1024xf32, #tpu.memory_space<vmem>>) dst(%dma_wait3A_251 : memref<32x1024xf32, #tpu.memory_space<hbm>>)
    %dma_wait3A_252 = arith.constant 3 : i32
    %dma_wait3A_253 = arith.constant 0 : i32
    %dma_wait3A_254 = arith.constant 0 : i32
    %dma_wait3A_255 = tpu.memref_slice %arg3[%dma_wait3A_252, %dma_wait3A_253, %dma_wait3A_254] : memref<4x4096x1024xf32, #tpu.memory_space<hbm>> -> memref<1x4096x1024xf32, #tpu.memory_space<hbm>>
    %dma_wait3A_256 = tpu.memref_squeeze %dma_wait3A_255 : memref<1x4096x1024xf32, #tpu.memory_space<hbm>> -> memref<4096x1024xf32, #tpu.memory_space<hbm>>
    %dma_wait3A_257 = arith.constant 0 : i32
    %dma_wait3A_258 = tpu.memref_slice %dma_wait3A_256[%add3A_212, %dma_wait3A_257] : memref<4096x1024xf32, #tpu.memory_space<hbm>> -> memref<32x1024xf32, #tpu.memory_space<hbm>>
    %dma_wait3A_259 = arith.constant 0 : i32
    %dma_wait3A_260 = arith.constant 0 : i32
    %dma_wait3A_261 = tpu.memref_slice %arg3[%dma_wait3A_252, %dma_wait3A_259, %dma_wait3A_260] : memref<4x4096x1024xf32, #tpu.memory_space<hbm>> -> memref<1x4096x1024xf32, #tpu.memory_space<hbm>>
    %dma_wait3A_262 = tpu.memref_squeeze %dma_wait3A_261 : memref<1x4096x1024xf32, #tpu.memory_space<hbm>> -> memref<4096x1024xf32, #tpu.memory_space<hbm>>
    %dma_wait3A_263 = arith.constant 0 : i32
    %dma_wait3A_264 = tpu.memref_slice %dma_wait3A_262[%add3A_212, %dma_wait3A_263] : memref<4096x1024xf32, #tpu.memory_space<hbm>> -> memref<32x1024xf32, #tpu.memory_space<hbm>>
    tpu.wait_dma2 semaphore(%arg9 : memref<!tpu.dma_semaphore, #tpu.memory_space<semaphore_mem>>) src(%arg5 : memref<32x1024xf32, #tpu.memory_space<vmem>>) dst(%dma_wait3A_264 : memref<32x1024xf32, #tpu.memory_space<hbm>>)
    return
  }
}

module attributes {stable_mosaic.version = 14 : i64} {
  func.func @tc_body(%arg0: memref<8192x1024xf32, #tpu.memory_space<any>>, %arg1: memref<4x4096x1024xf32, #tpu.memory_space<any>>, %arg2: memref<4x4096x1024xf32, #tpu.memory_space<any>>, %arg3: memref<1024x1024xf32, #tpu.memory_space<vmem>>, %arg4: memref<1024x1024xf32, #tpu.memory_space<vmem>>, %arg5: memref<!tpu.dma_semaphore, #tpu.memory_space<semaphore_mem>>, %arg6: memref<!tpu.dma_semaphore, #tpu.memory_space<semaphore_mem>>, %arg7: memref<!tpu.dma_semaphore, #tpu.memory_space<semaphore_mem>>, %arg8: memref<!tpu.dma_semaphore, #tpu.memory_space<semaphore_mem>>) attributes {dimension_semantics = [], scalar_prefetch = 0 : i64, scratch_operands = 6 : i64, tpu.core_type = #tpu.core_type<tc>} {
    %dma_start3A = arith.constant 2048 : i32
    %dma_start3A_0 = arith.constant 0 : i32
    %dma_start3A_1 = tpu.memref_slice %arg0[%dma_start3A, %dma_start3A_0] : memref<8192x1024xf32, #tpu.memory_space<any>> -> memref<1024x1024xf32, #tpu.memory_space<any>>
    tpu.enqueue_dma source(%dma_start3A_1 : memref<1024x1024xf32, #tpu.memory_space<any>>) target(%arg3 : memref<1024x1024xf32, #tpu.memory_space<vmem>>) target_semaphore(%arg5 : memref<!tpu.dma_semaphore, #tpu.memory_space<semaphore_mem>>)
    %dma_start3A_2 = arith.constant 3072 : i32
    %dma_start3A_3 = arith.constant 0 : i32
    %dma_start3A_4 = tpu.memref_slice %arg0[%dma_start3A_2, %dma_start3A_3] : memref<8192x1024xf32, #tpu.memory_space<any>> -> memref<1024x1024xf32, #tpu.memory_space<any>>
    tpu.enqueue_dma source(%dma_start3A_4 : memref<1024x1024xf32, #tpu.memory_space<any>>) target(%arg4 : memref<1024x1024xf32, #tpu.memory_space<vmem>>) target_semaphore(%arg6 : memref<!tpu.dma_semaphore, #tpu.memory_space<semaphore_mem>>)
    %dma_wait3A = arith.constant 2048 : i32
    %dma_wait3A_5 = arith.constant 0 : i32
    %dma_wait3A_6 = tpu.memref_slice %arg0[%dma_wait3A, %dma_wait3A_5] : memref<8192x1024xf32, #tpu.memory_space<any>> -> memref<1024x1024xf32, #tpu.memory_space<any>>
    tpu.wait_dma2 semaphore(%arg5 : memref<!tpu.dma_semaphore, #tpu.memory_space<semaphore_mem>>) src(%dma_wait3A_6 : memref<1024x1024xf32, #tpu.memory_space<any>>) dst(%arg3 : memref<1024x1024xf32, #tpu.memory_space<vmem>>)
    %dma_start3A_7 = arith.constant 0 : i32
    %dma_start3A_8 = arith.constant 0 : i32
    %dma_start3A_9 = arith.constant 0 : i32
    %dma_start3A_10 = tpu.memref_slice %arg2[%dma_start3A_7, %dma_start3A_8, %dma_start3A_9] : memref<4x4096x1024xf32, #tpu.memory_space<any>> -> memref<1x4096x1024xf32, #tpu.memory_space<any>>
    %dma_start3A_11 = tpu.memref_squeeze %dma_start3A_10 : memref<1x4096x1024xf32, #tpu.memory_space<any>> -> memref<4096x1024xf32, #tpu.memory_space<any>>
    %dma_start3A_12 = arith.constant 2048 : i32
    %dma_start3A_13 = arith.constant 0 : i32
    %dma_start3A_14 = tpu.memref_slice %dma_start3A_11[%dma_start3A_12, %dma_start3A_13] : memref<4096x1024xf32, #tpu.memory_space<any>> -> memref<1024x1024xf32, #tpu.memory_space<any>>
    tpu.enqueue_dma source(%arg3 : memref<1024x1024xf32, #tpu.memory_space<vmem>>) target(%dma_start3A_14 : memref<1024x1024xf32, #tpu.memory_space<any>>) target_semaphore(%arg7 : memref<!tpu.dma_semaphore, #tpu.memory_space<semaphore_mem>>)
    %dma_start3A_15 = arith.constant 1 : i32
    %dma_start3A_16 = arith.constant 0 : i32
    %dma_start3A_17 = arith.constant 0 : i32
    %dma_start3A_18 = tpu.memref_slice %arg2[%dma_start3A_15, %dma_start3A_16, %dma_start3A_17] : memref<4x4096x1024xf32, #tpu.memory_space<any>> -> memref<1x4096x1024xf32, #tpu.memory_space<any>>
    %dma_start3A_19 = tpu.memref_squeeze %dma_start3A_18 : memref<1x4096x1024xf32, #tpu.memory_space<any>> -> memref<4096x1024xf32, #tpu.memory_space<any>>
    %dma_start3A_20 = arith.constant 2048 : i32
    %dma_start3A_21 = arith.constant 0 : i32
    %dma_start3A_22 = tpu.memref_slice %dma_start3A_19[%dma_start3A_20, %dma_start3A_21] : memref<4096x1024xf32, #tpu.memory_space<any>> -> memref<1024x1024xf32, #tpu.memory_space<any>>
    tpu.enqueue_dma source(%arg3 : memref<1024x1024xf32, #tpu.memory_space<vmem>>) target(%dma_start3A_22 : memref<1024x1024xf32, #tpu.memory_space<any>>) target_semaphore(%arg7 : memref<!tpu.dma_semaphore, #tpu.memory_space<semaphore_mem>>)
    %dma_start3A_23 = arith.constant 2 : i32
    %dma_start3A_24 = arith.constant 0 : i32
    %dma_start3A_25 = arith.constant 0 : i32
    %dma_start3A_26 = tpu.memref_slice %arg2[%dma_start3A_23, %dma_start3A_24, %dma_start3A_25] : memref<4x4096x1024xf32, #tpu.memory_space<any>> -> memref<1x4096x1024xf32, #tpu.memory_space<any>>
    %dma_start3A_27 = tpu.memref_squeeze %dma_start3A_26 : memref<1x4096x1024xf32, #tpu.memory_space<any>> -> memref<4096x1024xf32, #tpu.memory_space<any>>
    %dma_start3A_28 = arith.constant 2048 : i32
    %dma_start3A_29 = arith.constant 0 : i32
    %dma_start3A_30 = tpu.memref_slice %dma_start3A_27[%dma_start3A_28, %dma_start3A_29] : memref<4096x1024xf32, #tpu.memory_space<any>> -> memref<1024x1024xf32, #tpu.memory_space<any>>
    tpu.enqueue_dma source(%arg3 : memref<1024x1024xf32, #tpu.memory_space<vmem>>) target(%dma_start3A_30 : memref<1024x1024xf32, #tpu.memory_space<any>>) target_semaphore(%arg7 : memref<!tpu.dma_semaphore, #tpu.memory_space<semaphore_mem>>)
    %dma_start3A_31 = arith.constant 3 : i32
    %dma_start3A_32 = arith.constant 0 : i32
    %dma_start3A_33 = arith.constant 0 : i32
    %dma_start3A_34 = tpu.memref_slice %arg2[%dma_start3A_31, %dma_start3A_32, %dma_start3A_33] : memref<4x4096x1024xf32, #tpu.memory_space<any>> -> memref<1x4096x1024xf32, #tpu.memory_space<any>>
    %dma_start3A_35 = tpu.memref_squeeze %dma_start3A_34 : memref<1x4096x1024xf32, #tpu.memory_space<any>> -> memref<4096x1024xf32, #tpu.memory_space<any>>
    %dma_start3A_36 = arith.constant 2048 : i32
    %dma_start3A_37 = arith.constant 0 : i32
    %dma_start3A_38 = tpu.memref_slice %dma_start3A_35[%dma_start3A_36, %dma_start3A_37] : memref<4096x1024xf32, #tpu.memory_space<any>> -> memref<1024x1024xf32, #tpu.memory_space<any>>
    tpu.enqueue_dma source(%arg3 : memref<1024x1024xf32, #tpu.memory_space<vmem>>) target(%dma_start3A_38 : memref<1024x1024xf32, #tpu.memory_space<any>>) target_semaphore(%arg7 : memref<!tpu.dma_semaphore, #tpu.memory_space<semaphore_mem>>)
    %dma_wait3A_39 = arith.constant 3072 : i32
    %dma_wait3A_40 = arith.constant 0 : i32
    %dma_wait3A_41 = tpu.memref_slice %arg0[%dma_wait3A_39, %dma_wait3A_40] : memref<8192x1024xf32, #tpu.memory_space<any>> -> memref<1024x1024xf32, #tpu.memory_space<any>>
    tpu.wait_dma2 semaphore(%arg6 : memref<!tpu.dma_semaphore, #tpu.memory_space<semaphore_mem>>) src(%dma_wait3A_41 : memref<1024x1024xf32, #tpu.memory_space<any>>) dst(%arg4 : memref<1024x1024xf32, #tpu.memory_space<vmem>>)
    %dma_start3A_42 = arith.constant 0 : i32
    %dma_start3A_43 = arith.constant 0 : i32
    %dma_start3A_44 = arith.constant 0 : i32
    %dma_start3A_45 = tpu.memref_slice %arg2[%dma_start3A_42, %dma_start3A_43, %dma_start3A_44] : memref<4x4096x1024xf32, #tpu.memory_space<any>> -> memref<1x4096x1024xf32, #tpu.memory_space<any>>
    %dma_start3A_46 = tpu.memref_squeeze %dma_start3A_45 : memref<1x4096x1024xf32, #tpu.memory_space<any>> -> memref<4096x1024xf32, #tpu.memory_space<any>>
    %dma_start3A_47 = arith.constant 3072 : i32
    %dma_start3A_48 = arith.constant 0 : i32
    %dma_start3A_49 = tpu.memref_slice %dma_start3A_46[%dma_start3A_47, %dma_start3A_48] : memref<4096x1024xf32, #tpu.memory_space<any>> -> memref<1024x1024xf32, #tpu.memory_space<any>>
    tpu.enqueue_dma source(%arg4 : memref<1024x1024xf32, #tpu.memory_space<vmem>>) target(%dma_start3A_49 : memref<1024x1024xf32, #tpu.memory_space<any>>) target_semaphore(%arg8 : memref<!tpu.dma_semaphore, #tpu.memory_space<semaphore_mem>>)
    %dma_start3A_50 = arith.constant 1 : i32
    %dma_start3A_51 = arith.constant 0 : i32
    %dma_start3A_52 = arith.constant 0 : i32
    %dma_start3A_53 = tpu.memref_slice %arg2[%dma_start3A_50, %dma_start3A_51, %dma_start3A_52] : memref<4x4096x1024xf32, #tpu.memory_space<any>> -> memref<1x4096x1024xf32, #tpu.memory_space<any>>
    %dma_start3A_54 = tpu.memref_squeeze %dma_start3A_53 : memref<1x4096x1024xf32, #tpu.memory_space<any>> -> memref<4096x1024xf32, #tpu.memory_space<any>>
    %dma_start3A_55 = arith.constant 3072 : i32
    %dma_start3A_56 = arith.constant 0 : i32
    %dma_start3A_57 = tpu.memref_slice %dma_start3A_54[%dma_start3A_55, %dma_start3A_56] : memref<4096x1024xf32, #tpu.memory_space<any>> -> memref<1024x1024xf32, #tpu.memory_space<any>>
    tpu.enqueue_dma source(%arg4 : memref<1024x1024xf32, #tpu.memory_space<vmem>>) target(%dma_start3A_57 : memref<1024x1024xf32, #tpu.memory_space<any>>) target_semaphore(%arg8 : memref<!tpu.dma_semaphore, #tpu.memory_space<semaphore_mem>>)
    %dma_start3A_58 = arith.constant 2 : i32
    %dma_start3A_59 = arith.constant 0 : i32
    %dma_start3A_60 = arith.constant 0 : i32
    %dma_start3A_61 = tpu.memref_slice %arg2[%dma_start3A_58, %dma_start3A_59, %dma_start3A_60] : memref<4x4096x1024xf32, #tpu.memory_space<any>> -> memref<1x4096x1024xf32, #tpu.memory_space<any>>
    %dma_start3A_62 = tpu.memref_squeeze %dma_start3A_61 : memref<1x4096x1024xf32, #tpu.memory_space<any>> -> memref<4096x1024xf32, #tpu.memory_space<any>>
    %dma_start3A_63 = arith.constant 3072 : i32
    %dma_start3A_64 = arith.constant 0 : i32
    %dma_start3A_65 = tpu.memref_slice %dma_start3A_62[%dma_start3A_63, %dma_start3A_64] : memref<4096x1024xf32, #tpu.memory_space<any>> -> memref<1024x1024xf32, #tpu.memory_space<any>>
    tpu.enqueue_dma source(%arg4 : memref<1024x1024xf32, #tpu.memory_space<vmem>>) target(%dma_start3A_65 : memref<1024x1024xf32, #tpu.memory_space<any>>) target_semaphore(%arg8 : memref<!tpu.dma_semaphore, #tpu.memory_space<semaphore_mem>>)
    %dma_start3A_66 = arith.constant 3 : i32
    %dma_start3A_67 = arith.constant 0 : i32
    %dma_start3A_68 = arith.constant 0 : i32
    %dma_start3A_69 = tpu.memref_slice %arg2[%dma_start3A_66, %dma_start3A_67, %dma_start3A_68] : memref<4x4096x1024xf32, #tpu.memory_space<any>> -> memref<1x4096x1024xf32, #tpu.memory_space<any>>
    %dma_start3A_70 = tpu.memref_squeeze %dma_start3A_69 : memref<1x4096x1024xf32, #tpu.memory_space<any>> -> memref<4096x1024xf32, #tpu.memory_space<any>>
    %dma_start3A_71 = arith.constant 3072 : i32
    %dma_start3A_72 = arith.constant 0 : i32
    %dma_start3A_73 = tpu.memref_slice %dma_start3A_70[%dma_start3A_71, %dma_start3A_72] : memref<4096x1024xf32, #tpu.memory_space<any>> -> memref<1024x1024xf32, #tpu.memory_space<any>>
    tpu.enqueue_dma source(%arg4 : memref<1024x1024xf32, #tpu.memory_space<vmem>>) target(%dma_start3A_73 : memref<1024x1024xf32, #tpu.memory_space<any>>) target_semaphore(%arg8 : memref<!tpu.dma_semaphore, #tpu.memory_space<semaphore_mem>>)
    %dma_wait3A_74 = arith.constant 0 : i32
    %dma_wait3A_75 = arith.constant 0 : i32
    %dma_wait3A_76 = arith.constant 0 : i32
    %dma_wait3A_77 = tpu.memref_slice %arg2[%dma_wait3A_74, %dma_wait3A_75, %dma_wait3A_76] : memref<4x4096x1024xf32, #tpu.memory_space<any>> -> memref<1x4096x1024xf32, #tpu.memory_space<any>>
    %dma_wait3A_78 = tpu.memref_squeeze %dma_wait3A_77 : memref<1x4096x1024xf32, #tpu.memory_space<any>> -> memref<4096x1024xf32, #tpu.memory_space<any>>
    %dma_wait3A_79 = arith.constant 2048 : i32
    %dma_wait3A_80 = arith.constant 0 : i32
    %dma_wait3A_81 = tpu.memref_slice %dma_wait3A_78[%dma_wait3A_79, %dma_wait3A_80] : memref<4096x1024xf32, #tpu.memory_space<any>> -> memref<1024x1024xf32, #tpu.memory_space<any>>
    tpu.wait_dma2 semaphore(%arg7 : memref<!tpu.dma_semaphore, #tpu.memory_space<semaphore_mem>>) src(%arg3 : memref<1024x1024xf32, #tpu.memory_space<vmem>>) dst(%dma_wait3A_81 : memref<1024x1024xf32, #tpu.memory_space<any>>)
    %dma_wait3A_82 = arith.constant 1 : i32
    %dma_wait3A_83 = arith.constant 0 : i32
    %dma_wait3A_84 = arith.constant 0 : i32
    %dma_wait3A_85 = tpu.memref_slice %arg2[%dma_wait3A_82, %dma_wait3A_83, %dma_wait3A_84] : memref<4x4096x1024xf32, #tpu.memory_space<any>> -> memref<1x4096x1024xf32, #tpu.memory_space<any>>
    %dma_wait3A_86 = tpu.memref_squeeze %dma_wait3A_85 : memref<1x4096x1024xf32, #tpu.memory_space<any>> -> memref<4096x1024xf32, #tpu.memory_space<any>>
    %dma_wait3A_87 = arith.constant 2048 : i32
    %dma_wait3A_88 = arith.constant 0 : i32
    %dma_wait3A_89 = tpu.memref_slice %dma_wait3A_86[%dma_wait3A_87, %dma_wait3A_88] : memref<4096x1024xf32, #tpu.memory_space<any>> -> memref<1024x1024xf32, #tpu.memory_space<any>>
    tpu.wait_dma2 semaphore(%arg7 : memref<!tpu.dma_semaphore, #tpu.memory_space<semaphore_mem>>) src(%arg3 : memref<1024x1024xf32, #tpu.memory_space<vmem>>) dst(%dma_wait3A_89 : memref<1024x1024xf32, #tpu.memory_space<any>>)
    %dma_wait3A_90 = arith.constant 2 : i32
    %dma_wait3A_91 = arith.constant 0 : i32
    %dma_wait3A_92 = arith.constant 0 : i32
    %dma_wait3A_93 = tpu.memref_slice %arg2[%dma_wait3A_90, %dma_wait3A_91, %dma_wait3A_92] : memref<4x4096x1024xf32, #tpu.memory_space<any>> -> memref<1x4096x1024xf32, #tpu.memory_space<any>>
    %dma_wait3A_94 = tpu.memref_squeeze %dma_wait3A_93 : memref<1x4096x1024xf32, #tpu.memory_space<any>> -> memref<4096x1024xf32, #tpu.memory_space<any>>
    %dma_wait3A_95 = arith.constant 2048 : i32
    %dma_wait3A_96 = arith.constant 0 : i32
    %dma_wait3A_97 = tpu.memref_slice %dma_wait3A_94[%dma_wait3A_95, %dma_wait3A_96] : memref<4096x1024xf32, #tpu.memory_space<any>> -> memref<1024x1024xf32, #tpu.memory_space<any>>
    tpu.wait_dma2 semaphore(%arg7 : memref<!tpu.dma_semaphore, #tpu.memory_space<semaphore_mem>>) src(%arg3 : memref<1024x1024xf32, #tpu.memory_space<vmem>>) dst(%dma_wait3A_97 : memref<1024x1024xf32, #tpu.memory_space<any>>)
    %dma_wait3A_98 = arith.constant 3 : i32
    %dma_wait3A_99 = arith.constant 0 : i32
    %dma_wait3A_100 = arith.constant 0 : i32
    %dma_wait3A_101 = tpu.memref_slice %arg2[%dma_wait3A_98, %dma_wait3A_99, %dma_wait3A_100] : memref<4x4096x1024xf32, #tpu.memory_space<any>> -> memref<1x4096x1024xf32, #tpu.memory_space<any>>
    %dma_wait3A_102 = tpu.memref_squeeze %dma_wait3A_101 : memref<1x4096x1024xf32, #tpu.memory_space<any>> -> memref<4096x1024xf32, #tpu.memory_space<any>>
    %dma_wait3A_103 = arith.constant 2048 : i32
    %dma_wait3A_104 = arith.constant 0 : i32
    %dma_wait3A_105 = tpu.memref_slice %dma_wait3A_102[%dma_wait3A_103, %dma_wait3A_104] : memref<4096x1024xf32, #tpu.memory_space<any>> -> memref<1024x1024xf32, #tpu.memory_space<any>>
    tpu.wait_dma2 semaphore(%arg7 : memref<!tpu.dma_semaphore, #tpu.memory_space<semaphore_mem>>) src(%arg3 : memref<1024x1024xf32, #tpu.memory_space<vmem>>) dst(%dma_wait3A_105 : memref<1024x1024xf32, #tpu.memory_space<any>>)
    %dma_wait3A_106 = arith.constant 0 : i32
    %dma_wait3A_107 = arith.constant 0 : i32
    %dma_wait3A_108 = arith.constant 0 : i32
    %dma_wait3A_109 = tpu.memref_slice %arg2[%dma_wait3A_106, %dma_wait3A_107, %dma_wait3A_108] : memref<4x4096x1024xf32, #tpu.memory_space<any>> -> memref<1x4096x1024xf32, #tpu.memory_space<any>>
    %dma_wait3A_110 = tpu.memref_squeeze %dma_wait3A_109 : memref<1x4096x1024xf32, #tpu.memory_space<any>> -> memref<4096x1024xf32, #tpu.memory_space<any>>
    %dma_wait3A_111 = arith.constant 3072 : i32
    %dma_wait3A_112 = arith.constant 0 : i32
    %dma_wait3A_113 = tpu.memref_slice %dma_wait3A_110[%dma_wait3A_111, %dma_wait3A_112] : memref<4096x1024xf32, #tpu.memory_space<any>> -> memref<1024x1024xf32, #tpu.memory_space<any>>
    tpu.wait_dma2 semaphore(%arg8 : memref<!tpu.dma_semaphore, #tpu.memory_space<semaphore_mem>>) src(%arg4 : memref<1024x1024xf32, #tpu.memory_space<vmem>>) dst(%dma_wait3A_113 : memref<1024x1024xf32, #tpu.memory_space<any>>)
    %dma_wait3A_114 = arith.constant 1 : i32
    %dma_wait3A_115 = arith.constant 0 : i32
    %dma_wait3A_116 = arith.constant 0 : i32
    %dma_wait3A_117 = tpu.memref_slice %arg2[%dma_wait3A_114, %dma_wait3A_115, %dma_wait3A_116] : memref<4x4096x1024xf32, #tpu.memory_space<any>> -> memref<1x4096x1024xf32, #tpu.memory_space<any>>
    %dma_wait3A_118 = tpu.memref_squeeze %dma_wait3A_117 : memref<1x4096x1024xf32, #tpu.memory_space<any>> -> memref<4096x1024xf32, #tpu.memory_space<any>>
    %dma_wait3A_119 = arith.constant 3072 : i32
    %dma_wait3A_120 = arith.constant 0 : i32
    %dma_wait3A_121 = tpu.memref_slice %dma_wait3A_118[%dma_wait3A_119, %dma_wait3A_120] : memref<4096x1024xf32, #tpu.memory_space<any>> -> memref<1024x1024xf32, #tpu.memory_space<any>>
    tpu.wait_dma2 semaphore(%arg8 : memref<!tpu.dma_semaphore, #tpu.memory_space<semaphore_mem>>) src(%arg4 : memref<1024x1024xf32, #tpu.memory_space<vmem>>) dst(%dma_wait3A_121 : memref<1024x1024xf32, #tpu.memory_space<any>>)
    %dma_wait3A_122 = arith.constant 2 : i32
    %dma_wait3A_123 = arith.constant 0 : i32
    %dma_wait3A_124 = arith.constant 0 : i32
    %dma_wait3A_125 = tpu.memref_slice %arg2[%dma_wait3A_122, %dma_wait3A_123, %dma_wait3A_124] : memref<4x4096x1024xf32, #tpu.memory_space<any>> -> memref<1x4096x1024xf32, #tpu.memory_space<any>>
    %dma_wait3A_126 = tpu.memref_squeeze %dma_wait3A_125 : memref<1x4096x1024xf32, #tpu.memory_space<any>> -> memref<4096x1024xf32, #tpu.memory_space<any>>
    %dma_wait3A_127 = arith.constant 3072 : i32
    %dma_wait3A_128 = arith.constant 0 : i32
    %dma_wait3A_129 = tpu.memref_slice %dma_wait3A_126[%dma_wait3A_127, %dma_wait3A_128] : memref<4096x1024xf32, #tpu.memory_space<any>> -> memref<1024x1024xf32, #tpu.memory_space<any>>
    tpu.wait_dma2 semaphore(%arg8 : memref<!tpu.dma_semaphore, #tpu.memory_space<semaphore_mem>>) src(%arg4 : memref<1024x1024xf32, #tpu.memory_space<vmem>>) dst(%dma_wait3A_129 : memref<1024x1024xf32, #tpu.memory_space<any>>)
    %dma_wait3A_130 = arith.constant 3 : i32
    %dma_wait3A_131 = arith.constant 0 : i32
    %dma_wait3A_132 = arith.constant 0 : i32
    %dma_wait3A_133 = tpu.memref_slice %arg2[%dma_wait3A_130, %dma_wait3A_131, %dma_wait3A_132] : memref<4x4096x1024xf32, #tpu.memory_space<any>> -> memref<1x4096x1024xf32, #tpu.memory_space<any>>
    %dma_wait3A_134 = tpu.memref_squeeze %dma_wait3A_133 : memref<1x4096x1024xf32, #tpu.memory_space<any>> -> memref<4096x1024xf32, #tpu.memory_space<any>>
    %dma_wait3A_135 = arith.constant 3072 : i32
    %dma_wait3A_136 = arith.constant 0 : i32
    %dma_wait3A_137 = tpu.memref_slice %dma_wait3A_134[%dma_wait3A_135, %dma_wait3A_136] : memref<4096x1024xf32, #tpu.memory_space<any>> -> memref<1024x1024xf32, #tpu.memory_space<any>>
    tpu.wait_dma2 semaphore(%arg8 : memref<!tpu.dma_semaphore, #tpu.memory_space<semaphore_mem>>) src(%arg4 : memref<1024x1024xf32, #tpu.memory_space<vmem>>) dst(%dma_wait3A_137 : memref<1024x1024xf32, #tpu.memory_space<any>>)
    return
  }
}

</mosaic_0001>

<sc_bundles>
// kernel: kernel.4.cloned.1.call-start
scs
__scs_entry_jumppad:
0x0: {  	(pc) =	sbr.rel $0x88, $3  }
0x1: {  	(tag) =	ssettag $0x0;
	lr =	simm.s32 $0x1  }
0x2: {  	[smem:$0x3FA0] =	sst lr;
	_ =	strace $0xD0000000  }
0x3: {  	_ = 	snop  }
0x4: {  	_ = 	snop  }
0x5: {  	_ = 	snop  }
0x6: {  	_ = 	snop  }
0x7: {  	_ = 	snop  }
__scs_overlays_trampoline_lowered:
0x8: {  	[smem:$0x3FAF] =	sst s0  }
0x9: {  	[smem:$0x3FB0] =	sst s1  }
0xa: {  	[smem:$0x3FB1] =	sst s2  }
0xb: {  	[smem:$0x3FB2] =	sst s3  }
0xc: {  	[smem:$0x3FB3] =	sst s4  }
0xd: {  	[smem:$0x3FB4] =	sst s5  }
0xe: {  	[smem:$0x3FB5] =	sst s6  }
0xf: {  	[smem:$0x3FB6] =	sst s7  }
0x10: {  	[smem:$0x3FB7] =	sst s8  }
0x11: {  	[smem:$0x3FB8] =	sst s9;
	s0 =	simm.s32 @!p0 $0x0  }
0x12: {  	s1 =	sld [smem:$0x3F9E];
	s0 =	simm.s32 @p0 $0x1  }
0x13: {  	[smem:$0x3FB9] =	sst s0;
	s0 =	simm.s32 @!p1 $0x0  }
0x14: {  	s2 =	sld [smem:$0x3F9D];
	s0 =	simm.s32 @p1 $0x1  }
0x15: {  	[smem:$0x3FBA] =	sst s0;
	s0 =	simm.s32 @!p2 $0x0  }
0x16: {  	s3 =	sld [smem:$0x3FDB];
	s0 =	simm.s32 @p2 $0x1  }
0x17: {  	s4 =	simm.s32 $0x1BF5;
	[smem:$0x3FBC] =	sst s0  }
0x18: {  	s0 =	sld [smem:$0x3F9F];
	_ =	swait.ge [sflag:s4], $0x0  }
0x19: {  	s7 =	sld [smem:$0x3FA0]  }
0x1a: {  	s8 =	sadd.s32 $0xFFFFE003, lr  }
0x1b: {  	s9 =	sadd.s32 $0xFFFFFEF7, lr;
	s5 =	simm.s32 $0xFFFFFFFF;
	p2 =	slt.u32 s8, $0xFFFFF086  }
0x1c: {  	p1 =	slt.u32 s9, $0xF7A;
	s5 =	simm.s32 @!p2 $0x0  }
0x1d: {  	s5 =	simm.s32 @p1 $0x1;
	p0 =	seq.s32 s7, s2  }
0x1e: {  	s7 =	smul.u32 @!p0 $0xF7A, s2;
	p2 =	seq.s32 @!p0 s5, $0x0  }
0x1f: {  	s9 =	smul.u32 $0xF7A, s1;
	s8 =	simm.s32 @!p0 $0x1BF5;
	p2 =	por !p2, p0  }
0x20: {  	[sflag:s8] =	ssyncset.s32 @!p0 $0xFFFFF086;
	s6 =	sadd.s32 @!p0 s3, s7;
	s7 =	simm.s32 @!p0 $0x108  }
0x21: {  	s3 =	sadd.s32 s3, s9;
	s6 =	sadd.s32 @!p0 $0x88, s6;
	s7 =	simm.s32 @p2 $0x1082  }
0x22: {  	[simem:s7], [sflag:s8] =	dma.local @!p0 [hbm:s6], $0xF7A  }
0x23: {  	s9 =	sor.u32 $0xD0000000, s2;
	s6 =	simm.s32 $0x108;
	_ =	swait.ge @!p0 [sflag:s8], $0x0  }
0x24: {  	s3 =	sadd.s32 $0x88, s3;
	s6 =	simm.s32 @!p1 $0x1082;
	[sflag:s4] =	ssyncset.s32 $0xFFFFF086  }
0x25: {  	[simem:s6], [sflag:s4] =	dma.local [hbm:s3], $0xF7A  }
0x26: {  	[smem:$0x3FA0] =	sst s1;
	(tag) =	ssettag s2;
	_ =	strace s9  }
0x27: {  	s1 =	sld [smem:$0x3FB0]  }
0x28: {  	s2 =	sld [smem:$0x3FB1]  }
0x29: {  	s4 =	sld [smem:$0x3FB3]  }
0x2a: {  	p0 =	seq.s32 s5, $0x0;
	s5 =	sld [smem:$0x3FB4]  }
0x2b: {  	s6 =	sld [smem:$0x3FB5]  }
0x2c: {  	s7 =	sld [smem:$0x3FB6]  }
0x2d: {  	s3 =	simm.s32 $0x108;
	s8 =	sld [smem:$0x3FB7]  }
0x2e: {  	s3 =	simm.s32 @!p0 $0x1082;
	s9 =	sld [smem:$0x3FB8]  }
0x2f: {  	lr =	sadd.s32 s0, s3;
	s0 =	sld [smem:$0x3FAF]  }
0x30: {  	s3 =	sld [smem:$0x3FB2]  }
0x31: {  	[smem:$0x3FBB] =	sst s10  }
0x32: {  	s10 =	sld [smem:$0x3FB9];
	_ =	sdelay $0x3  }
0x33: {  	p0 =	seq.s32 s10, $0x1;
	s10 =	sld [smem:$0x3FBB];
	_ =	sdelay $0x3  }
0x34: {  	[smem:$0x3FBB] =	sst s10  }
0x35: {  	s10 =	sld [smem:$0x3FBA];
	_ =	sdelay $0x3  }
0x36: {  	p1 =	seq.s32 s10, $0x1;
	s10 =	sld [smem:$0x3FBB];
	_ =	sdelay $0x3  }
0x37: {  	[smem:$0x3FBB] =	sst s10  }
0x38: {  	s10 =	sld [smem:$0x3FBC]  }
0x39: {  	_ = 	snop;
	(pc) =	sbr.ind lr, $3  }
0x3a: {  	_ = 	snop  }
0x3b: {  	_ = 	snop  }
0x3c: {  	p2 =	seq.s32 s10, $0x1;
	s10 =	sld [smem:$0x3FBB]  }
0x3d: {  	_ =	shalt  }
0x3e: {  	_ =	shalt  }
0x3f: {  	_ =	shalt  }
0x40: {  	_ =	shalt  }
0x41: {  	_ =	shalt  }
0x42: {  	_ =	shalt  }
0x43: {  	_ =	shalt  }
0x44: {  	_ =	shalt  }
0x45: {  	_ =	shalt  }
0x46: {  	_ =	shalt  }
0x47: {  	_ =	shalt  }
0x48: {  	_ =	shalt  }
0x49: {  	_ =	shalt  }
0x4a: {  	_ =	shalt  }
0x4b: {  	_ =	shalt  }
0x4c: {  	_ =	shalt  }
0x4d: {  	_ =	shalt  }
0x4e: {  	_ =	shalt  }
0x4f: {  	_ =	shalt  }
0x50: {  	_ =	shalt  }
0x51: {  	_ =	shalt  }
0x52: {  	_ =	shalt  }
0x53: {  	_ =	shalt  }
0x54: {  	_ =	shalt  }
0x55: {  	_ =	shalt  }
0x56: {  	_ =	shalt  }
0x57: {  	_ =	shalt  }
0x58: {  	_ =	shalt  }
0x59: {  	_ =	shalt  }
0x5a: {  	_ =	shalt  }
0x5b: {  	_ =	shalt  }
0x5c: {  	_ =	shalt  }
0x5d: {  	_ =	shalt  }
0x5e: {  	_ =	shalt  }
0x5f: {  	_ =	shalt  }
0x60: {  	_ =	shalt  }
0x61: {  	_ =	shalt  }
0x62: {  	_ =	shalt  }
0x63: {  	_ =	shalt  }
0x64: {  	_ =	shalt  }
0x65: {  	_ =	shalt  }
0x66: {  	_ =	shalt  }
0x67: {  	_ =	shalt  }
0x68: {  	_ =	shalt  }
0x69: {  	_ =	shalt  }
0x6a: {  	_ =	shalt  }
0x6b: {  	_ =	shalt  }
0x6c: {  	_ =	shalt  }
0x6d: {  	_ =	shalt  }
0x6e: {  	_ =	shalt  }
0x6f: {  	_ =	shalt  }
0x70: {  	_ =	shalt  }
0x71: {  	_ =	shalt  }
0x72: {  	_ =	shalt  }
0x73: {  	_ =	shalt  }
0x74: {  	_ =	shalt  }
0x75: {  	_ =	shalt  }
0x76: {  	_ =	shalt  }
0x77: {  	_ =	shalt  }
0x78: {  	_ =	shalt  }
0x79: {  	_ =	shalt  }
0x7a: {  	_ =	shalt  }
0x7b: {  	_ =	shalt  }
0x7c: {  	_ =	shalt  }
0x7d: {  	_ =	shalt  }
0x7e: {  	_ =	shalt  }
0x7f: {  	_ =	shalt  }
0x80: {  	_ =	shalt  }
0x81: {  	_ =	shalt  }
0x82: {  	_ =	shalt  }
0x83: {  	_ =	shalt  }
0x84: {  	_ =	shalt  }
0x85: {  	_ =	shalt  }
0x86: {  	_ =	shalt  }
0x87: {  	_ =	shalt  }
.Lfunc_end0:
.L_simem_size_0:
called_computation_lowered:
.L_overlay_start_0:
0x88: {  	s2 =	sld [smem:$0x3FD9]  }
0x89: {  	s3 =	sld [smem:$0x3FFE];
	_ =	sdelay $0x1  }
0x8a: {  	s1 =	srdreg.scid  }
0x8b: {  	s0 =	sand.u32 $0x1, s1  }
0x8c: {  	s18 =	sshll.u32 s0, $0xA;
	s2 =	sadd.s32 s3, s2  }
0x8d: {  	s2 =	sadd.s32 s2, s18  }
0x8e: {  	[smem:$0x3FC7] =	sst s2  }
0x8f: {  	_ = 	snop  }
0x90: {  	s2 =	sld [smem:$0x3FC9]  }
0x91: {  	s19 =	sld [smem:$0x3FD0];
	(tm) =	ssettm $0x1  }
0x92: {  	s4 =	sld [smem:$0x3FFB];
	_ =	sdelay $0x3  }
0x93: {  	_ =	strace s4  }
0x94: {  	s4 =	sld [smem:$0x3FFC];
	_ =	sdelay $0x3  }
0x95: {  	_ =	strace s4  }
0x96: {  	s4 =	sld [smem:$0x3FFD];
	_ =	sdelay $0x3  }
0x97: {  	_ =	strace s4  }
0x98: {  	_ =	strace $0x8FFFFFFF  }
0x99: {  	s20 =	sld [smem:$0x3FDB];
	_ =	sdelay $0x1  }
0x9a: {  	s5 =	simm.s32 $_scs_section_size  }
0x9b: {  	s6 =	simm.s32 $_size__tile_overlayer_lowered;
	s7 =	simm.s32 $_tile_overlayer_lowered  }
0x9c: {  	s23 =	simm.s32 $0x1BFF;
	s22 =	sshll.u32 s7, $0x1;
	s4 =	sadd.s32 s5, s20  }
0x9d: {  	s8 =	simm.s32 $0x0;
	s21 =	sshll.u32 s6, $0x1;
	s6 =	sadd.s32 s22, s4  }
0x9e: {  	[timem:s8], [sflag:s23] =	dma.local [hbm:s6], s21  }
0x9f: {  	_ =	swait.ge [sflag:s23], s21  }
0xa0: {  	s5 =	ssub.s32 $0x0, s21;
	[sflag:s23] =	ssyncset.done $0x0  }
0xa1: {  	[sflag:s23] =	ssyncadd.s32 s5;
	_ =	sdelay $0x1  }
0xa2: {  	s24 =	simm.s32 $0x1B8B  }
0xa3: {  	_ =	swait.ge [sflag:s24], $0x1  }
0xa4: {  	[sflag:s24] =	ssyncset.done $0x0  }
0xa5: {  	s25 =	simm.s32 $0x1B8E;
	[sflag:s24] =	ssyncadd.s32 $0xFFFFFFFF  }
0xa6: {  	s26 =	simm.s32 $execute0_lowered;
	[smem:$0x3FD2] =	sst s25  }
0xa7: {  	s5 =	sshll.u32 s26, $0x1;
	_ =	strace $0x80000046;
	[dreg:$0x1] =	wrdreg $0xFFFFFFFF  }
0xa8: {  	s28 =	simm.s32 $_size_execute0_lowered;
	s4 =	sadd.s32 s4, s5;
	[dreg:$0x0] =	wrdreg $0x0  }
0xa9: {  	s5 =	sshll.u32 s28, $0x1;
	[dreg:$0x2] =	wrdreg s4  }
0xaa: {  	[dreg:$0x3] =	wrdreg s5  }
0xab: {  	[dreg:$0x4] =	wrdreg $0xC0  }
0xac: {  	_ =	task [dreg:s8], $0x5FFFF  }
0xad: {  	[dreg:$0x1] =	wrdreg $0xFFFFFFFF  }
0xae: {  	[dreg:$0x0] =	wrdreg $0x60  }
0xaf: {  	[dreg:$0x2] =	wrdreg s2  }
0xb0: {  	[dreg:$0x3] =	wrdreg s19  }
0xb1: {  	[dreg:$0x4] =	wrdreg $0x9  }
0xb2: {  	_ =	task.clear_ibuf [dreg:s8], $0x5FFFF;
	_ =	strace $0x90000046  }
0xb3: {  	s29 =	simm.s32 $0x9;
	_ =	strace $0x80000048  }
0xb4: {  	_ =	swait.ge [sflag:s29], $0x1  }
0xb5: {  	[sflag:s29] =	ssyncadd.s32 $0xFFFFFFFF  }
0xb6: {  	_ =	strace $0x90000048  }
0xb7: {  	_ =	sfence  }
0xb8: {  	s30 =	sld [smem:$0x0];
	_ =	sdelay $0x2  }
0xb9: {  	s31 =	sshll.u32 s1, $0xD;
	s1 =	sshrl.u32 s1, $0x2  }
0xba: {  	s3 =	sand.u32 $0x4000, s31;
	s1 =	sadd.s32 s1, s30  }
0xbb: {  	s0 =	sor.u32 s3, s0;
	s1 =	sshll.u32 s1, $0x11  }
0xbc: {  	s0 =	sor.u32 s1, s0  }
0xbd: {  	s0 =	sadd.s32 $0x8F2B, s0  }
0xbe: {  	[sflag:s0] =	ssyncadd.remote.s32 $0x1  }
0xbf: {  	_ =	sfence.sel $0xFFFF  }
0xc0: {  	[dreg:$0x0] =	wrdreg $0xFFFFFFFF;
	(pc) =	sbr.abs _section_cstart, $3  }
0xc1: {  	[dreg:$0x1] =	wrdreg $0xFFFFFFFF  }
0xc2: {  	_ =	task.clear_ibuf [dreg:s8], $0x2FFFF;
	_ =	strace $0x9FFFFFFF  }
0xc3: {  	(tm) =	ssettm $0x7FFFFFFF  }
tec
execute0_lowered:
.L_overlay_start_1:
0x0: {  	(tag) =	ssettag $0x1  }
0x1: {  	s4 =	rddreg [dreg:$0x0]  }
0x2: {  	s12 =	rddreg [dreg:$0x1];
	s2 =	srdreg.scid  }
0x3: {  	s0 =	rddreg [dreg:$0x2];
	s1 =	stileid.u32;
	s18 =	sand.u32 $0x1, s2  }
0x4: {  	s2 =	simm.s32 $0x0;
	s3 =	sshll.u32 s1, $0xE;
	s5 =	sshll.u32 s18, $0xD  }
0x5: {  	[smem:$0x7FF] =	sst s2;
	s10 =	sor.u32 s5, s3  }
0x6: {  	_ =	strace $0x80000047;
	s3 =	sadd.s32 s4, s10;
	s15 =	sor.u32 $0x1000, s10  }
0x7: {  	[tilespmem:s2], [sflag:$0x1] =	stream.linear.gather [hbm4b:s3+s2], $0x8000, $0x38;
	[tilespmem:$0x10000] =	vst v63  }
0x8: {  	s6 =	simm.s32 $0x1;
	s5 =	simm.s32 $0x8000;
	s4 =	sadd.s32 s4, s15  }
0x9: {  	[tilespmem:s5], [sflag:$0x2] =	stream.linear.gather [hbm4b:s4+s2], $0x8000, $0x38;
	[tilespmem:$0x10000] =	vst v63  }
0xa: {  	_ =	swait.ge [sflag:s6], $0x8000  }
0xb: {  	[sflag:s6] =	ssyncset.done $0x0  }
0xc: {  	s13 =	sadd.s32 $0x80000, s12;
	s7 =	sadd.s32 s12, s10;
	[sflag:s6] =	ssyncadd.s32 $0xFFFF8000  }
0xd: {  	[hbm4b:s7+s2] =	stream.linear.scatter [tilespmem:s2], [sflag:$0x3], $0x8000, $0x38;
	[tilespmem:$0x10000] =	vst v63  }
0xe: {  	s14 =	sadd.s32 $0x100000, s12;
	s8 =	sadd.s32 s10, s13  }
0xf: {  	[hbm4b:s8+s2] =	stream.linear.scatter [tilespmem:s2], [sflag:$0x3], $0x8000, $0x38;
	[tilespmem:$0x10000] =	vst v63  }
0x10: {  	s16 =	sadd.s32 $0x180000, s12;
	s9 =	sadd.s32 s10, s14  }
0x11: {  	[hbm4b:s9+s2] =	stream.linear.scatter [tilespmem:s2], [sflag:$0x3], $0x8000, $0x38;
	[tilespmem:$0x10000] =	vst v63  }
0x12: {  	s11 =	simm.s32 $0x2;
	s10 =	sadd.s32 s10, s16  }
0x13: {  	[hbm4b:s10+s2] =	stream.linear.scatter [tilespmem:s2], [sflag:$0x3], $0x8000, $0x38;
	[tilespmem:$0x10000] =	vst v63  }
0x14: {  	_ =	swait.ge [sflag:s11], $0x8000  }
0x15: {  	[sflag:s11] =	ssyncset.done $0x0  }
0x16: {  	s12 =	sadd.s32 s12, s15;
	[sflag:s11] =	ssyncadd.s32 $0xFFFF8000  }
0x17: {  	[hbm4b:s12+s2] =	stream.linear.scatter [tilespmem:s5], [sflag:$0x4], $0x8000, $0x38;
	[tilespmem:$0x10000] =	vst v63  }
0x18: {  	s13 =	sadd.s32 s15, s13  }
0x19: {  	[hbm4b:s13+s2] =	stream.linear.scatter [tilespmem:s5], [sflag:$0x4], $0x8000, $0x38;
	[tilespmem:$0x10000] =	vst v63  }
0x1a: {  	s14 =	sadd.s32 s15, s14  }
0x1b: {  	[hbm4b:s14+s2] =	stream.linear.scatter [tilespmem:s5], [sflag:$0x4], $0x8000, $0x38;
	[tilespmem:$0x10000] =	vst v63  }
0x1c: {  	s15 =	sadd.s32 s15, s16;
	s16 =	simm.s32 $0x3  }
0x1d: {  	[hbm4b:s15+s2] =	stream.linear.scatter [tilespmem:s5], [sflag:$0x4], $0x8000, $0x38;
	[tilespmem:$0x10000] =	vst v63  }
0x1e: {  	_ =	swait.ge [sflag:s16], $0x8000  }
0x1f: {  	[sflag:s16] =	ssyncset.done $0x0  }
0x20: {  	[sflag:s16] =	ssyncadd.s32 $0xFFFF8000  }
0x21: {  	_ =	swait.ge [sflag:s16], $0x8000  }
0x22: {  	[sflag:s16] =	ssyncset.done $0x0  }
0x23: {  	[sflag:s16] =	ssyncadd.s32 $0xFFFF8000  }
0x24: {  	_ =	swait.ge [sflag:s16], $0x8000  }
0x25: {  	[sflag:s16] =	ssyncset.done $0x0  }
0x26: {  	[sflag:s16] =	ssyncadd.s32 $0xFFFF8000  }
0x27: {  	_ =	swait.ge [sflag:s16], $0x8000  }
0x28: {  	[sflag:s16] =	ssyncset.done $0x0  }
0x29: {  	s17 =	simm.s32 $0x4;
	[sflag:s16] =	ssyncadd.s32 $0xFFFF8000  }
0x2a: {  	_ =	swait.ge [sflag:s17], $0x8000  }
0x2b: {  	s18 =	ssub.s32 $0x2, s18;
	[sflag:s17] =	ssyncset.done $0x0  }
0x2c: {  	s19 =	sshrl.u32 s18, $0x1;
	[sflag:s17] =	ssyncadd.s32 $0xFFFF8000  }
0x2d: {  	s18 =	ssub.s32 s18, s19;
	_ =	swait.ge [sflag:s17], $0x8000  }
0x2e: {  	s18 =	smax.u32 s18, $0x1;
	[sflag:s17] =	ssyncset.done $0x0  }
0x2f: {  	p0 =	sne.s32 s18, $0x1;
	[sflag:s17] =	ssyncadd.s32 $0xFFFF8000  }
.Ltmp0:
0x30: {  	_ =	swait.ge [sflag:s17], $0x8000;
	(pc) =	sbr.rel @!p0 .LBB2_2-.Ltmp0, $4  }
0x31: {  	[sflag:s17] =	ssyncset.done $0x0  }
0x32: {  	[sflag:s17] =	ssyncadd.s32 $0xFFFF8000  }
0x33: {  	_ =	swait.ge [sflag:s17], $0x8000  }
0x34: {  	s18 =	sadd.s32 $0xFFFFFFFF, s18;
	[sflag:s17] =	ssyncset.done $0x0  }
.LBB2_1:
0x35: {  	p0 =	sne.s32 s18, $0x1;
	s18 =	sadd.s32 $0xFFFFFFFF, s18;
	[sflag:s17] =	ssyncadd.s32 $0xFFFF8000  }
0x36: {  	[tilespmem:s2], [sflag:$0x1] =	stream.linear.gather [hbm4b:s3+s2], $0x8000, $0x38;
	[tilespmem:$0x10000] =	vst v63  }
0x37: {  	_ = 	snop  }
0x38: {  	[tilespmem:s5], [sflag:$0x2] =	stream.linear.gather [hbm4b:s4+s2], $0x8000, $0x38;
	[tilespmem:$0x10000] =	vst v63  }
0x39: {  	_ =	swait.ge [sflag:s6], $0x8000  }
0x3a: {  	[sflag:s6] =	ssyncset.done $0x0  }
0x3b: {  	[sflag:s6] =	ssyncadd.s32 $0xFFFF8000  }
0x3c: {  	[hbm4b:s7+s2] =	stream.linear.scatter [tilespmem:s2], [sflag:$0x3], $0x8000, $0x38;
	[tilespmem:$0x10000] =	vst v63  }
0x3d: {  	_ = 	snop  }
0x3e: {  	[hbm4b:s8+s2] =	stream.linear.scatter [tilespmem:s2], [sflag:$0x3], $0x8000, $0x38;
	[tilespmem:$0x10000] =	vst v63  }
0x3f: {  	_ = 	snop  }
0x40: {  	[hbm4b:s9+s2] =	stream.linear.scatter [tilespmem:s2], [sflag:$0x3], $0x8000, $0x38;
	[tilespmem:$0x10000] =	vst v63  }
0x41: {  	_ = 	snop  }
0x42: {  	[hbm4b:s10+s2] =	stream.linear.scatter [tilespmem:s2], [sflag:$0x3], $0x8000, $0x38;
	[tilespmem:$0x10000] =	vst v63  }
0x43: {  	_ =	swait.ge [sflag:s11], $0x8000  }
0x44: {  	[sflag:s11] =	ssyncset.done $0x0  }
0x45: {  	[sflag:s11] =	ssyncadd.s32 $0xFFFF8000  }
0x46: {  	[hbm4b:s12+s2] =	stream.linear.scatter [tilespmem:s5], [sflag:$0x4], $0x8000, $0x38;
	[tilespmem:$0x10000] =	vst v63  }
0x47: {  	_ = 	snop  }
0x48: {  	[hbm4b:s13+s2] =	stream.linear.scatter [tilespmem:s5], [sflag:$0x4], $0x8000, $0x38;
	[tilespmem:$0x10000] =	vst v63  }
0x49: {  	_ = 	snop  }
0x4a: {  	[hbm4b:s14+s2] =	stream.linear.scatter [tilespmem:s5], [sflag:$0x4], $0x8000, $0x38;
	[tilespmem:$0x10000] =	vst v63  }
0x4b: {  	_ = 	snop  }
0x4c: {  	[hbm4b:s15+s2] =	stream.linear.scatter [tilespmem:s5], [sflag:$0x4], $0x8000, $0x38;
	[tilespmem:$0x10000] =	vst v63  }
0x4d: {  	_ =	swait.ge [sflag:s16], $0x8000  }
0x4e: {  	[sflag:s16] =	ssyncset.done $0x0  }
0x4f: {  	[sflag:s16] =	ssyncadd.s32 $0xFFFF8000  }
0x50: {  	_ =	swait.ge [sflag:s16], $0x8000  }
0x51: {  	[sflag:s16] =	ssyncset.done $0x0  }
0x52: {  	[sflag:s16] =	ssyncadd.s32 $0xFFFF8000  }
0x53: {  	_ =	swait.ge [sflag:s16], $0x8000  }
0x54: {  	[sflag:s16] =	ssyncset.done $0x0  }
0x55: {  	[sflag:s16] =	ssyncadd.s32 $0xFFFF8000  }
0x56: {  	_ =	swait.ge [sflag:s16], $0x8000  }
0x57: {  	[sflag:s16] =	ssyncset.done $0x0  }
0x58: {  	[sflag:s16] =	ssyncadd.s32 $0xFFFF8000  }
0x59: {  	_ =	swait.ge [sflag:s17], $0x8000  }
0x5a: {  	[sflag:s17] =	ssyncset.done $0x0  }
0x5b: {  	[sflag:s17] =	ssyncadd.s32 $0xFFFF8000  }
0x5c: {  	_ =	swait.ge [sflag:s17], $0x8000  }
0x5d: {  	[sflag:s17] =	ssyncset.done $0x0  }
0x5e: {  	[sflag:s17] =	ssyncadd.s32 $0xFFFF8000  }
.Ltmp1:
0x5f: {  	_ =	swait.ge [sflag:s17], $0x8000;
	(pc) =	sbr.rel @p0 .LBB2_1-.Ltmp1, $4  }
0x60: {  	[sflag:s17] =	ssyncset.done $0x0  }
0x61: {  	[sflag:s17] =	ssyncadd.s32 $0xFFFF8000  }
0x62: {  	_ =	swait.ge [sflag:s17], $0x8000  }
0x63: {  	[sflag:s17] =	ssyncset.done $0x0  }
.LBB2_2:
0x64: {  	[sflag:s17] =	ssyncadd.s32 $0xFFFF8000  }
0x65: {  	_ =	sfence.sel $0x180000  }
0x66: {  	[bflag:$0x0] =	sbarrier.arrive $0xFFFF  }
0x67: {  	p0 =	sne.s32 s1, $0x0;
	_ =	strace $0x90000047  }
0x68: {  	s0 =	sadd.s32 @!p0 $0x100000, s0;
	[bflag:$0x2] =	sbarrier.arrive $0xFFFF  }
0x69: {  	[sflag:s0] =	ssyncadd.tile.s32 @!p0 $0x1;
	_ =	shalt  }
.Lfunc_end2:
_tile_overlayer_lowered:
.L_overlay_start_2:
0x6a: {  	(tag) =	ssettag $0x2  }
0x6b: {  	s0 =	rddreg [dreg:$0x0];
	s2 =	stileid.u32  }
0x6c: {  	s1 =	rddreg [dreg:$0x1];
	p0 =	sne.s32 s2, $0x0  }
0x6d: {  	s3 =	rddreg [dreg:$0x2];
	[bflag:$0x3] =	sbarrier.arrive $0xFFFF;
	s2 =	simm.s32 @!p0 $0x1C05  }
0x6e: {  	[timem:s3], [sflag:s2] =	dma.local @!p0 [hbm:s0], s1  }
0x6f: {  	s0 =	simm.s32 @!p0 $0x5  }
0x70: {  	_ =	swait.ge @!p0 [sflag:s0], s1  }
0x71: {  	s1 =	ssub.s32 @!p0 $0x0, s1;
	[sflag:s0] =	ssyncset.done @!p0 $0x0  }
0x72: {  	[sflag:s0] =	ssyncadd.s32 @!p0 s1  }
0x73: {  	[bflag:$0x3] =	sbarrier.arrive $0xFFFF  }
0x74: {  	_ =	shalt  }

</sc_bundles>
